<compile_context>
chip_gen: v7x
topology: tpu7x:2x2x1
jax: 0.10.2.dev20260603
libtpu: 0.0.44.dev20260713+nightly
codegen_flags: <defaults>
</compile_context>

<pallas_src>
import functools

import jax
import jax.numpy as jnp
from jax import lax
from jax.experimental import pallas as pl
from jax.experimental.pallas import tpu as pltpu
from jax.experimental.pallas import tpu_sc as plsc

K = 8
BIG = 1e9
N_BLK = 512
LANES = 128
T_TILE = 256


def _insert_stream(md, base_col, vals, inds, rows):
    cur_v = [vals[s] for s in range(K)]
    cur_i = [inds[s] for s in range(K)]
    for g in range(N_BLK // LANES):
        v = md[:, g * LANES:(g + 1) * LANES]
        vidx = (base_col + g * LANES
                + lax.broadcasted_iota(jnp.int32, (rows, LANES), 1))
        c = [v < cur_v[s] for s in range(K)]
        new_v, new_i = [], []
        for s in range(K):
            if s == 0:
                new_v.append(jnp.where(c[0], v, cur_v[0]))
                new_i.append(jnp.where(c[0], vidx, cur_i[0]))
            else:
                new_v.append(jnp.where(c[s], jnp.where(c[s - 1], cur_v[s - 1],
                                                       v), cur_v[s]))
                new_i.append(jnp.where(c[s], jnp.where(c[s - 1], cur_i[s - 1],
                                                       vidx), cur_i[s]))
        cur_v, cur_i = new_v, new_i
    for s in range(K):
        vals[s] = cur_v[s]
        inds[s] = cur_i[s]


def _masked_dist(q2, p2, code, ph, hb, pb):
    cross = lax.dot_general(
        hb.astype(jnp.bfloat16), pb.astype(jnp.bfloat16),
        dimension_numbers=(((1,), (1,)), ((), ())),
        preferred_element_type=jnp.float32,
    )
    d2 = (q2 + p2) - 2.0 * cross
    dist = jnp.sqrt(jnp.maximum(d2, 1e-12))
    return jnp.where(code == ph, dist, jnp.float32(BIG))


def _merge_and_softmax(vals, inds, idx_out_ref, w_out_ref):
    cv = jnp.stack([vals[s] for s in range(K)])
    ci = jnp.stack([inds[s] for s in range(K)])
    outd, outi = [], []
    for _ in range(K):
        m = jnp.min(jnp.min(cv, axis=0), axis=1, keepdims=True)
        eq = cv == m[None, :, :]
        imin = jnp.min(jnp.min(jnp.where(eq, ci, jnp.int32(2**30)), axis=0),
                       axis=1, keepdims=True)
        outd.append(m)
        outi.append(imin)
        kill = eq & (ci == imin[None, :, :])
        cv = jnp.where(kill, jnp.inf, cv)
    topd = jnp.concatenate(outd, axis=1)
    topi = jnp.concatenate(outi, axis=1)
    unnorm = jnp.exp(-(topd - topd[:, 0:1]))
    w = unnorm / jnp.sum(unnorm, axis=1, keepdims=True)
    idx_out_ref[...] = topi
    w_out_ref[...] = w


def _dense_body(q2_ref, ph_ref, p2_ref, code_ref, h_ref, pr_ref,
                idx_out_ref, w_out_ref, vals, inds, *, n_blocks):
    j = pl.program_id(1)

    @pl.when(j == 0)
    def _init():
        vals[...] = jnp.full((K, T_TILE, LANES), jnp.inf, jnp.float32)
        inds[...] = jnp.zeros((K, T_TILE, LANES), jnp.int32)

    md = _masked_dist(q2_ref[...], p2_ref[...], code_ref[...], ph_ref[...],
                      h_ref[...], pr_ref[...])
    _insert_stream(md, j * N_BLK, vals, inds, T_TILE)

    @pl.when(j == n_blocks - 1)
    def _merge():
        _merge_and_softmax(vals, inds, idx_out_ref, w_out_ref)


def _run_dense_topk(q2, phones2d, p2, code2d, h_clean, prototypes):
    T, D = h_clean.shape
    N = prototypes.shape[0]
    n_t, n_blocks = T // T_TILE, N // N_BLK
    kern = functools.partial(_dense_body, n_blocks=n_blocks)
    return pl.pallas_call(
        kern,
        grid=(n_t, n_blocks),
        in_specs=[
            pl.BlockSpec((T_TILE, 1), lambda i, j: (i, 0)),
            pl.BlockSpec((T_TILE, 1), lambda i, j: (i, 0)),
            pl.BlockSpec((1, N_BLK), lambda i, j: (0, j)),
            pl.BlockSpec((1, N_BLK), lambda i, j: (0, j)),
            pl.BlockSpec((T_TILE, D), lambda i, j: (i, 0)),
            pl.BlockSpec((N_BLK, D), lambda i, j: (j, 0)),
        ],
        out_specs=[
            pl.BlockSpec((T_TILE, K), lambda i, j: (i, 0)),
            pl.BlockSpec((T_TILE, K), lambda i, j: (i, 0)),
        ],
        out_shape=[
            jax.ShapeDtypeStruct((T, K), jnp.int32),
            jax.ShapeDtypeStruct((T, K), jnp.float32),
        ],
        scratch_shapes=[
            pltpu.VMEM((K, T_TILE, LANES), jnp.float32),
            pltpu.VMEM((K, T_TILE, LANES), jnp.int32),
        ],
        compiler_params=pltpu.CompilerParams(
            dimension_semantics=("arbitrary", "arbitrary"),
        ),
    )(q2, phones2d, p2, code2d, h_clean, prototypes)


def _make_sc_gather(D, B):
    nw = 32
    b_per_w = B // nw
    mesh = plsc.VectorSubcoreMesh(core_axis_name="c", subcore_axis_name="s")

    @functools.partial(
        pl.kernel, mesh=mesh,
        out_type=jax.ShapeDtypeStruct((B, D), jnp.float32),
        scratch_types=[
            pltpu.VMEM((b_per_w,), jnp.int32),
            pltpu.VMEM((b_per_w, D), jnp.float32),
            pltpu.SemaphoreType.DMA,
        ],
    )
    def sc_gather(table_hbm, idx_hbm, out_hbm, idx_v, rows_v, sem):
        wid = lax.axis_index("s") * 2 + lax.axis_index("c")
        base = wid * b_per_w
        pltpu.sync_copy(idx_hbm.at[pl.ds(base, b_per_w)], idx_v)
        pltpu.async_copy(table_hbm.at[idx_v], rows_v, sem).wait()
        pltpu.sync_copy(rows_v, out_hbm.at[pl.ds(base, b_per_w)])

    return sc_gather


def _combine_body(g_ref, w_ref, out_ref):
    g = g_ref[...]
    w = w_ref[...]
    out_ref[...] = jnp.sum(w[:, :, None] * g, axis=1)


def _run_combine(gathered, w):
    T = w.shape[0]
    g3 = gathered.reshape(T, K, 256)
    return pl.pallas_call(
        _combine_body,
        grid=(T // T_TILE,),
        in_specs=[
            pl.BlockSpec((T_TILE, K, 256), lambda i: (i, 0, 0)),
            pl.BlockSpec((T_TILE, K), lambda i: (i, 0)),
        ],
        out_specs=pl.BlockSpec((T_TILE, 256), lambda i: (i, 0)),
        out_shape=jax.ShapeDtypeStruct((T, 256), jnp.float32),
    )(g3, w)


def kernel(h_clean, phones, target_gender, prototypes, proto_phones,
           proto_genders):
    T, D = h_clean.shape
    N = prototypes.shape[0]
    q2 = jnp.sum(h_clean * h_clean, axis=1, keepdims=True)
    p2 = jnp.sum(prototypes * prototypes, axis=1)
    code = jnp.where(proto_genders == target_gender, proto_phones,
                     jnp.int32(-1)).astype(jnp.int32)
    topi, w = _run_dense_topk(q2, phones.astype(jnp.int32).reshape(T, 1),
                              p2.reshape(1, N), code.reshape(1, N), h_clean,
                              prototypes)
    gathered = _make_sc_gather(D, T * K)(prototypes, topi.reshape(T * K))
    return _run_combine(gathered, w)

# --- scband reference (transcript-rebuilt; emitter-appended) ---
"""Pipeline reference for scband-prototype-knnretriever-80616536146010 (READ-ONLY COPY).

The authoritative reference and input builder live on the scoring server;
editing this copy changes nothing except your own understanding.
"""

import jax, jax.numpy as jnp
import numpy as np

K = 8
TEMPERATURE = 1.0
NUM_PHONES = 64

def setup_inputs(seed: int = 0) -> dict:
    key = jax.random.key(seed)
    k1, k2, k3, k4, k5 = jax.random.split(key, 5)
    T, D, N = 1024, 256, 65536
    h_clean = jax.random.normal(k1, (T, D), dtype=jnp.float32)
    phones = jax.random.randint(k2, (T,), 0, NUM_PHONES)
    # learned/loaded buffers: prototype pool + per-prototype phone and gender labels
    prototypes = jax.random.normal(k3, (N, D), dtype=jnp.float32)
    proto_phones = jax.random.randint(k4, (N,), 0, NUM_PHONES)
    proto_genders = jax.random.randint(k5, (N,), 0, 2)
    return {
        "h_clean": h_clean,
        "phones": phones,
        "target_gender": 0,
        "prototypes": prototypes,
        "proto_phones": proto_phones,
        "proto_genders": proto_genders,
    }

def reference(h_clean, phones, target_gender, prototypes, proto_phones, proto_genders):
    # Pairwise Euclidean distances (cdist) between query frames and prototypes
    q2 = jnp.sum(h_clean * h_clean, axis=1, keepdims=True)          # [T, 1]
    p2 = jnp.sum(prototypes * prototypes, axis=1)[None, :]          # [1, N]
    cross = h_clean @ prototypes.T                                   # [T, N]
    dist2 = jnp.maximum(q2 + p2 - 2.0 * cross, 1e-12)
    dist = jnp.sqrt(dist2)
    # Phone + gender constraints ('pool' speaker mode: no speaker restriction)
    gender_mask = (proto_genders[None, :] == target_gender)
    phone_mask = (proto_phones[None, :] == phones[:, None])
    mask = gender_mask & phone_mask                                  # [T, N]
    BIG = jnp.float32(1e9)
    masked_dist = jnp.where(mask, dist, BIG)
    # k nearest neighbors under the constraint
    neg_topk, idx = jax.lax.top_k(-masked_dist, K)                   # [T, K]
    topk_dist = -neg_topk
    # softmax weights over negative distance / temperature
    w = jax.nn.softmax(-topk_dist / TEMPERATURE, axis=-1)            # [T, K]
    nbrs = prototypes[idx]                                           # [T, K, D]
    h_anon = jnp.sum(w[..., None] * nbrs, axis=1)                    # [T, D]
    return h_anon

if __name__ == "__main__":
    import jax
    _d = setup_inputs()
    print(jax.jit(kernel)(*tuple(_d.values())))

</pallas_src>

<mosaic_0001>
#map = affine_map<(d0, d1) -> (0, 0)>
#map1 = affine_map<(d0, d1) -> (0)>
module attributes {stable_mosaic.version = 14 : i64} {
  func.func @sc_gather(%arg0: i32, %arg1: i32, %arg2: memref<65536x256xf32, #tpu.memory_space<hbm>>, %arg3: memref<8192xi32, #tpu.memory_space<hbm>>, %arg4: memref<8192x256xf32, #tpu.memory_space<hbm>>, %arg5: memref<256xi32, #tpu.memory_space<vmem>>, %arg6: memref<256x256xf32, #tpu.memory_space<vmem>>, %arg7: memref<!tpu.dma_semaphore, #tpu.memory_space<semaphore_mem>>) attributes {dimension_semantics = [#tpu.dimension_semantics<core_parallel>, #tpu.dimension_semantics<subcore_parallel>], iteration_bounds = array<i64: 2, 16>, scalar_prefetch = 0 : i64, scratch_operands = 3 : i64, tpu.core_type = #tpu.core_type<sc_vector_subcore>, window_params = [{transform_indices = #map}, {transform_indices = #map1}, {transform_indices = #map}]} {
    %mul3A = arith.constant 2 : i32
    %mul3A_0 = arith.muli %arg1, %mul3A : i32
    %add3A = arith.addi %mul3A_0, %arg0 : i32
    %mul3A_1 = arith.constant 256 : i32
    %mul3A_2 = arith.muli %add3A, %mul3A_1 : i32
    "tpu.region"() ({
      %run_scoped3A = tpu.sem_alloc : memref<!tpu.dma_semaphore, #tpu.memory_space<semaphore_mem>>
      %dma_start3A_7 = tpu.memref_slice %arg3[%mul3A_2] : memref<8192xi32, #tpu.memory_space<hbm>> -> memref<256xi32, #tpu.memory_space<hbm>>
      %dma_start3A_8 = tpu.memref_slice %arg3[%mul3A_2] : memref<8192xi32, #tpu.memory_space<hbm>> -> memref<256xi32, #tpu.memory_space<hbm>>
      tpu.enqueue_dma source(%dma_start3A_8 : memref<256xi32, #tpu.memory_space<hbm>>) target(%arg5 : memref<256xi32, #tpu.memory_space<vmem>>) target_semaphore(%run_scoped3A : memref<!tpu.dma_semaphore, #tpu.memory_space<semaphore_mem>>)
      %dma_wait3A_9 = tpu.memref_slice %arg3[%mul3A_2] : memref<8192xi32, #tpu.memory_space<hbm>> -> memref<256xi32, #tpu.memory_space<hbm>>
      %dma_wait3A_10 = tpu.memref_slice %arg3[%mul3A_2] : memref<8192xi32, #tpu.memory_space<hbm>> -> memref<256xi32, #tpu.memory_space<hbm>>
      tpu.wait_dma2 semaphore(%run_scoped3A : memref<!tpu.dma_semaphore, #tpu.memory_space<semaphore_mem>>) src(%dma_wait3A_10 : memref<256xi32, #tpu.memory_space<hbm>>) dst(%arg5 : memref<256xi32, #tpu.memory_space<vmem>>)
      tpu.yield
    }) : () -> ()
    %dma_start3A = arith.constant 0 : i32
    %dma_start3A_3 = arith.constant 0 : i32
    %dma_start3A_4 = tpu.memref_slice %arg2[%dma_start3A, %dma_start3A_3] : memref<65536x256xf32, #tpu.memory_space<hbm>> -> memref<65536x256xf32, #tpu.memory_space<hbm>>
    tpu.enqueue_indirect_dma source(%dma_start3A_4 : memref<65536x256xf32, #tpu.memory_space<hbm>>) target(%arg6 : memref<256x256xf32, #tpu.memory_space<vmem>>) offsets(%arg5 : memref<256xi32, #tpu.memory_space<vmem>>) semaphore(%arg7 : memref<!tpu.dma_semaphore, #tpu.memory_space<semaphore_mem>>)
    %dma_wait3A = arith.constant 0 : i32
    %dma_wait3A_5 = arith.constant 0 : i32
    %dma_wait3A_6 = tpu.memref_slice %arg2[%dma_wait3A, %dma_wait3A_5] : memref<65536x256xf32, #tpu.memory_space<hbm>> -> memref<65536x256xf32, #tpu.memory_space<hbm>>
    tpu.wait_indirect_dma semaphore(%arg7 : memref<!tpu.dma_semaphore, #tpu.memory_space<semaphore_mem>>) src(%dma_wait3A_6 : memref<65536x256xf32, #tpu.memory_space<hbm>>) dst(%arg6 : memref<256x256xf32, #tpu.memory_space<vmem>>)
    "tpu.region"() ({
      %run_scoped3A = tpu.sem_alloc : memref<!tpu.dma_semaphore, #tpu.memory_space<semaphore_mem>>
      %dma_start3A_7 = arith.constant 0 : i32
      %dma_start3A_8 = tpu.memref_slice %arg4[%mul3A_2, %dma_start3A_7] : memref<8192x256xf32, #tpu.memory_space<hbm>> -> memref<256x256xf32, #tpu.memory_space<hbm>>
      %dma_start3A_9 = arith.constant 0 : i32
      %dma_start3A_10 = tpu.memref_slice %arg4[%mul3A_2, %dma_start3A_9] : memref<8192x256xf32, #tpu.memory_space<hbm>> -> memref<256x256xf32, #tpu.memory_space<hbm>>
      tpu.enqueue_dma source(%arg6 : memref<256x256xf32, #tpu.memory_space<vmem>>) target(%dma_start3A_10 : memref<256x256xf32, #tpu.memory_space<hbm>>) target_semaphore(%run_scoped3A : memref<!tpu.dma_semaphore, #tpu.memory_space<semaphore_mem>>)
      %dma_wait3A_11 = arith.constant 0 : i32
      %dma_wait3A_12 = tpu.memref_slice %arg4[%mul3A_2, %dma_wait3A_11] : memref<8192x256xf32, #tpu.memory_space<hbm>> -> memref<256x256xf32, #tpu.memory_space<hbm>>
      %dma_wait3A_13 = arith.constant 0 : i32
      %dma_wait3A_14 = tpu.memref_slice %arg4[%mul3A_2, %dma_wait3A_13] : memref<8192x256xf32, #tpu.memory_space<hbm>> -> memref<256x256xf32, #tpu.memory_space<hbm>>
      tpu.wait_dma2 semaphore(%run_scoped3A : memref<!tpu.dma_semaphore, #tpu.memory_space<semaphore_mem>>) src(%arg6 : memref<256x256xf32, #tpu.memory_space<vmem>>) dst(%dma_wait3A_14 : memref<256x256xf32, #tpu.memory_space<hbm>>)
      tpu.yield
    }) : () -> ()
    return
  }
}

module attributes {stable_mosaic.version = 14 : i64} {
  func.func @_dense_body(%arg0: i32, %arg1: i32, %arg2: memref<256x1xf32, #tpu.memory_space<vmem>>, %arg3: memref<256x1xi32, #tpu.memory_space<vmem>>, %arg4: memref<1x512xf32, #tpu.memory_space<vmem>>, %arg5: memref<1x512xi32, #tpu.memory_space<vmem>>, %arg6: memref<256x256xf32, #tpu.memory_space<vmem>>, %arg7: memref<512x256xf32, #tpu.memory_space<vmem>>, %arg8: memref<256x8xi32, #tpu.memory_space<vmem>>, %arg9: memref<256x8xf32, #tpu.memory_space<vmem>>, %arg10: memref<8x256x128xf32, #tpu.memory_space<vmem>>, %arg11: memref<8x256x128xi32, #tpu.memory_space<vmem>>) attributes {dimension_semantics = [#tpu.dimension_semantics<arbitrary>, #tpu.dimension_semantics<arbitrary>], iteration_bounds = array<i64: 4, 128>, scalar_prefetch = 0 : i64, scratch_operands = 2 : i64, tpu.core_type = #tpu.core_type<tc>, window_params = [{transform_indices = @transform_0, window_bounds = array<i64: 256, 1>}, {transform_indices = @transform_1, window_bounds = array<i64: 256, 1>}, {transform_indices = @transform_2, window_bounds = array<i64: 1, 512>}, {transform_indices = @transform_3, window_bounds = array<i64: 1, 512>}, {transform_indices = @transform_4, window_bounds = array<i64: 256, 256>}, {transform_indices = @transform_5, window_bounds = array<i64: 512, 256>}, {transform_indices = @transform_6, window_bounds = array<i64: 256, 8>}, {transform_indices = @transform_7, window_bounds = array<i64: 256, 8>}]} {
    %eq3A = arith.constant 0 : i32
    %eq3A_0 = arith.cmpi eq, %arg1, %eq3A : i32
    %convert_element_type3A = arith.extui %eq3A_0 : i1 to i32
    %cond3A = arith.constant 0 : i32
    %cond3A_1 = arith.cmpi ne, %convert_element_type3A, %cond3A : i32
    scf.if %cond3A_1 {
      %broadcast_in_dim3A_386 = arith.constant 0x7F800000 : f32
      %broadcast_in_dim3A_387 = vector.broadcast %broadcast_in_dim3A_386 : f32 to vector<8x256x128xf32>
      %swap3A_388 = arith.constant 0 : index
      %swap3A_389 = arith.constant 0 : index
      %swap3A_390 = arith.constant 0 : index
      %swap3A_391 = vector.load %arg10[%swap3A_388, %swap3A_389, %swap3A_390] : memref<8x256x128xf32, #tpu.memory_space<vmem>>, vector<8x256x128xf32>
      tpu.vector_store %arg10[%swap3A_388, %swap3A_389, %swap3A_390], %broadcast_in_dim3A_387 {strides = array<i32>} : memref<8x256x128xf32, #tpu.memory_space<vmem>>, vector<8x256x128xf32>,
      %broadcast_in_dim3A_392 = arith.constant 0 : i32
      %broadcast_in_dim3A_393 = vector.broadcast %broadcast_in_dim3A_392 : i32 to vector<8x256x128xi32>
      %swap3A_394 = arith.constant 0 : index
      %swap3A_395 = arith.constant 0 : index
      %swap3A_396 = arith.constant 0 : index
      %swap3A_397 = vector.load %arg11[%swap3A_394, %swap3A_395, %swap3A_396] : memref<8x256x128xi32, #tpu.memory_space<vmem>>, vector<8x256x128xi32>
      tpu.vector_store %arg11[%swap3A_394, %swap3A_395, %swap3A_396], %broadcast_in_dim3A_393 {strides = array<i32>} : memref<8x256x128xi32, #tpu.memory_space<vmem>>, vector<8x256x128xi32>,
    } else {
    }
    %get3A = arith.constant 0 : index
    %get3A_2 = arith.constant 0 : index
    %get3A_3 = vector.load %arg2[%get3A, %get3A_2] : memref<256x1xf32, #tpu.memory_space<vmem>>, vector<256x1xf32>
    %get3A_4 = arith.constant 0 : index
    %get3A_5 = arith.constant 0 : index
    %get3A_6 = vector.load %arg4[%get3A_4, %get3A_5] : memref<1x512xf32, #tpu.memory_space<vmem>>, vector<1x512xf32>
    %get3A_7 = arith.constant 0 : index
    %get3A_8 = arith.constant 0 : index
    %get3A_9 = vector.load %arg5[%get3A_7, %get3A_8] : memref<1x512xi32, #tpu.memory_space<vmem>>, vector<1x512xi32>
    %get3A_10 = arith.constant 0 : index
    %get3A_11 = arith.constant 0 : index
    %get3A_12 = vector.load %arg3[%get3A_10, %get3A_11] : memref<256x1xi32, #tpu.memory_space<vmem>>, vector<256x1xi32>
    %get3A_13 = arith.constant 0 : index
    %get3A_14 = arith.constant 0 : index
    %get3A_15 = vector.load %arg6[%get3A_13, %get3A_14] : memref<256x256xf32, #tpu.memory_space<vmem>>, vector<256x256xf32>
    %get3A_16 = arith.constant 0 : index
    %get3A_17 = arith.constant 0 : index
    %get3A_18 = vector.load %arg7[%get3A_16, %get3A_17] : memref<512x256xf32, #tpu.memory_space<vmem>>, vector<512x256xf32>
    %convert_element_type3A_19 = arith.truncf %get3A_15 : vector<256x256xf32> to vector<256x256xbf16>
    %convert_element_type3A_20 = arith.truncf %get3A_18 : vector<512x256xf32> to vector<512x256xbf16>
    %dot_general3A = arith.constant dense<0.000000e+00> : vector<256x512xf32>
    %dot_general3A_21 = tpu.matmul %convert_element_type3A_19, %convert_element_type3A_20, %dot_general3A {dimension_numbers = #tpu.dot_dimension_numbers<[1], [1], [0], [0], [0, 0, 1, 0], [], []>, transpose_lhs_hint = false} : vector<256x256xbf16>, vector<512x256xbf16>, vector<256x512xf32> -> vector<256x512xf32>
    %add3A = vector.broadcast %get3A_3 : vector<256x1xf32> to vector<256x512xf32>
    %add3A_22 = vector.broadcast %get3A_6 : vector<1x512xf32> to vector<256x512xf32>
    %add3A_23 = arith.addf %add3A, %add3A_22 : vector<256x512xf32>
    %mul3A = arith.constant 2.000000e+00 : f32
    %mul3A_24 = vector.broadcast %mul3A : f32 to vector<256x512xf32>
    %mul3A_25 = arith.mulf %mul3A_24, %dot_general3A_21 : vector<256x512xf32>
    %sub3A = arith.subf %add3A_23, %mul3A_25 : vector<256x512xf32>
    %max3A = arith.constant 9.99999996E-13 : f32
    %max3A_26 = vector.broadcast %max3A : f32 to vector<256x512xf32>
    %max3A_27 = arith.maximumf %sub3A, %max3A_26 : vector<256x512xf32>
    %sqrt3A = math.sqrt %max3A_27 : vector<256x512xf32>
    %eq3A_28 = vector.broadcast %get3A_9 : vector<1x512xi32> to vector<256x512xi32>
    %eq3A_29 = vector.broadcast %get3A_12 : vector<256x1xi32> to vector<256x512xi32>
    %eq3A_30 = arith.cmpi eq, %eq3A_28, %eq3A_29 : vector<256x512xi32>
    %jit3A = arith.constant 1.000000e+09 : f32
    %broadcast_in_dim3A = vector.broadcast %jit3A : f32 to vector<256x512xf32>
    %select_n3A = arith.select %eq3A_30, %sqrt3A, %broadcast_in_dim3A : vector<256x512xi1>, vector<256x512xf32>
    %mul3A_31 = arith.constant 512 : i32
    %mul3A_32 = arith.muli %arg1, %mul3A_31 : i32
    %get3A_33 = arith.constant 0 : index
    %get3A_34 = arith.constant 0 : index
    %get3A_35 = arith.constant 0 : index
    %get3A_36 = vector.load %arg10[%get3A_33, %get3A_34, %get3A_35] : memref<8x256x128xf32, #tpu.memory_space<vmem>>, vector<1x256x128xf32>
    %get3A_37 = vector.shape_cast %get3A_36 : vector<1x256x128xf32> to vector<256x128xf32>
    %get3A_38 = arith.constant 1 : index
    %get3A_39 = arith.constant 0 : index
    %get3A_40 = arith.constant 0 : index
    %get3A_41 = vector.load %arg10[%get3A_38, %get3A_39, %get3A_40] : memref<8x256x128xf32, #tpu.memory_space<vmem>>, vector<1x256x128xf32>
    %get3A_42 = vector.shape_cast %get3A_41 : vector<1x256x128xf32> to vector<256x128xf32>
    %get3A_43 = arith.constant 2 : index
    %get3A_44 = arith.constant 0 : index
    %get3A_45 = arith.constant 0 : index
    %get3A_46 = vector.load %arg10[%get3A_43, %get3A_44, %get3A_45] : memref<8x256x128xf32, #tpu.memory_space<vmem>>, vector<1x256x128xf32>
    %get3A_47 = vector.shape_cast %get3A_46 : vector<1x256x128xf32> to vector<256x128xf32>
    %get3A_48 = arith.constant 3 : index
    %get3A_49 = arith.constant 0 : index
    %get3A_50 = arith.constant 0 : index
    %get3A_51 = vector.load %arg10[%get3A_48, %get3A_49, %get3A_50] : memref<8x256x128xf32, #tpu.memory_space<vmem>>, vector<1x256x128xf32>
    %get3A_52 = vector.shape_cast %get3A_51 : vector<1x256x128xf32> to vector<256x128xf32>
    %get3A_53 = arith.constant 4 : index
    %get3A_54 = arith.constant 0 : index
    %get3A_55 = arith.constant 0 : index
    %get3A_56 = vector.load %arg10[%get3A_53, %get3A_54, %get3A_55] : memref<8x256x128xf32, #tpu.memory_space<vmem>>, vector<1x256x128xf32>
    %get3A_57 = vector.shape_cast %get3A_56 : vector<1x256x128xf32> to vector<256x128xf32>
    %get3A_58 = arith.constant 5 : index
    %get3A_59 = arith.constant 0 : index
    %get3A_60 = arith.constant 0 : index
    %get3A_61 = vector.load %arg10[%get3A_58, %get3A_59, %get3A_60] : memref<8x256x128xf32, #tpu.memory_space<vmem>>, vector<1x256x128xf32>
    %get3A_62 = vector.shape_cast %get3A_61 : vector<1x256x128xf32> to vector<256x128xf32>
    %get3A_63 = arith.constant 6 : index
    %get3A_64 = arith.constant 0 : index
    %get3A_65 = arith.constant 0 : index
    %get3A_66 = vector.load %arg10[%get3A_63, %get3A_64, %get3A_65] : memref<8x256x128xf32, #tpu.memory_space<vmem>>, vector<1x256x128xf32>
    %get3A_67 = vector.shape_cast %get3A_66 : vector<1x256x128xf32> to vector<256x128xf32>
    %get3A_68 = arith.constant 7 : index
    %get3A_69 = arith.constant 0 : index
    %get3A_70 = arith.constant 0 : index
    %get3A_71 = vector.load %arg10[%get3A_68, %get3A_69, %get3A_70] : memref<8x256x128xf32, #tpu.memory_space<vmem>>, vector<1x256x128xf32>
    %get3A_72 = vector.shape_cast %get3A_71 : vector<1x256x128xf32> to vector<256x128xf32>
    %get3A_73 = arith.constant 0 : index
    %get3A_74 = arith.constant 0 : index
    %get3A_75 = arith.constant 0 : index
    %get3A_76 = vector.load %arg11[%get3A_73, %get3A_74, %get3A_75] : memref<8x256x128xi32, #tpu.memory_space<vmem>>, vector<1x256x128xi32>
    %get3A_77 = vector.shape_cast %get3A_76 : vector<1x256x128xi32> to vector<256x128xi32>
    %get3A_78 = arith.constant 1 : index
    %get3A_79 = arith.constant 0 : index
    %get3A_80 = arith.constant 0 : index
    %get3A_81 = vector.load %arg11[%get3A_78, %get3A_79, %get3A_80] : memref<8x256x128xi32, #tpu.memory_space<vmem>>, vector<1x256x128xi32>
    %get3A_82 = vector.shape_cast %get3A_81 : vector<1x256x128xi32> to vector<256x128xi32>
    %get3A_83 = arith.constant 2 : index
    %get3A_84 = arith.constant 0 : index
    %get3A_85 = arith.constant 0 : index
    %get3A_86 = vector.load %arg11[%get3A_83, %get3A_84, %get3A_85] : memref<8x256x128xi32, #tpu.memory_space<vmem>>, vector<1x256x128xi32>
    %get3A_87 = vector.shape_cast %get3A_86 : vector<1x256x128xi32> to vector<256x128xi32>
    %get3A_88 = arith.constant 3 : index
    %get3A_89 = arith.constant 0 : index
    %get3A_90 = arith.constant 0 : index
    %get3A_91 = vector.load %arg11[%get3A_88, %get3A_89, %get3A_90] : memref<8x256x128xi32, #tpu.memory_space<vmem>>, vector<1x256x128xi32>
    %get3A_92 = vector.shape_cast %get3A_91 : vector<1x256x128xi32> to vector<256x128xi32>
    %get3A_93 = arith.constant 4 : index
    %get3A_94 = arith.constant 0 : index
    %get3A_95 = arith.constant 0 : index
    %get3A_96 = vector.load %arg11[%get3A_93, %get3A_94, %get3A_95] : memref<8x256x128xi32, #tpu.memory_space<vmem>>, vector<1x256x128xi32>
    %get3A_97 = vector.shape_cast %get3A_96 : vector<1x256x128xi32> to vector<256x128xi32>
    %get3A_98 = arith.constant 5 : index
    %get3A_99 = arith.constant 0 : index
    %get3A_100 = arith.constant 0 : index
    %get3A_101 = vector.load %arg11[%get3A_98, %get3A_99, %get3A_100] : memref<8x256x128xi32, #tpu.memory_space<vmem>>, vector<1x256x128xi32>
    %get3A_102 = vector.shape_cast %get3A_101 : vector<1x256x128xi32> to vector<256x128xi32>
    %get3A_103 = arith.constant 6 : index
    %get3A_104 = arith.constant 0 : index
    %get3A_105 = arith.constant 0 : index
    %get3A_106 = vector.load %arg11[%get3A_103, %get3A_104, %get3A_105] : memref<8x256x128xi32, #tpu.memory_space<vmem>>, vector<1x256x128xi32>
    %get3A_107 = vector.shape_cast %get3A_106 : vector<1x256x128xi32> to vector<256x128xi32>
    %get3A_108 = arith.constant 7 : index
    %get3A_109 = arith.constant 0 : index
    %get3A_110 = arith.constant 0 : index
    %get3A_111 = vector.load %arg11[%get3A_108, %get3A_109, %get3A_110] : memref<8x256x128xi32, #tpu.memory_space<vmem>>, vector<1x256x128xi32>
    %get3A_112 = vector.shape_cast %get3A_111 : vector<1x256x128xi32> to vector<256x128xi32>
    %slice3A = vector.extract_strided_slice %select_n3A {offsets = [0, 0], sizes = [256, 128], strides = [1, 1]} : vector<256x512xf32> to vector<256x128xf32>
    %add3A_113 = arith.constant 0 : i32
    %add3A_114 = arith.addi %mul3A_32, %add3A_113 : i32
    %iota3A = tpu.iota {dimensions = array<i32: 1>} : vector<256x128xi32>
    %add3A_115 = vector.broadcast %add3A_114 : i32 to vector<256x128xi32>
    %add3A_116 = arith.addi %add3A_115, %iota3A : vector<256x128xi32>
    %lt3A = arith.cmpf olt, %slice3A, %get3A_37 : vector<256x128xf32>
    %lt3A_117 = arith.cmpf olt, %slice3A, %get3A_42 : vector<256x128xf32>
    %lt3A_118 = arith.cmpf olt, %slice3A, %get3A_47 : vector<256x128xf32>
    %lt3A_119 = arith.cmpf olt, %slice3A, %get3A_52 : vector<256x128xf32>
    %lt3A_120 = arith.cmpf olt, %slice3A, %get3A_57 : vector<256x128xf32>
    %lt3A_121 = arith.cmpf olt, %slice3A, %get3A_62 : vector<256x128xf32>
    %lt3A_122 = arith.cmpf olt, %slice3A, %get3A_67 : vector<256x128xf32>
    %lt3A_123 = arith.cmpf olt, %slice3A, %get3A_72 : vector<256x128xf32>
    %select_n3A_124 = arith.select %lt3A, %slice3A, %get3A_37 : vector<256x128xi1>, vector<256x128xf32>
    %select_n3A_125 = arith.select %lt3A, %add3A_116, %get3A_77 : vector<256x128xi1>, vector<256x128xi32>
    %select_n3A_126 = arith.select %lt3A, %get3A_37, %slice3A : vector<256x128xi1>, vector<256x128xf32>
    %select_n3A_127 = arith.select %lt3A_117, %select_n3A_126, %get3A_42 : vector<256x128xi1>, vector<256x128xf32>
    %select_n3A_128 = arith.select %lt3A, %get3A_77, %add3A_116 : vector<256x128xi1>, vector<256x128xi32>
    %select_n3A_129 = arith.select %lt3A_117, %select_n3A_128, %get3A_82 : vector<256x128xi1>, vector<256x128xi32>
    %select_n3A_130 = arith.select %lt3A_117, %get3A_42, %slice3A : vector<256x128xi1>, vector<256x128xf32>
    %select_n3A_131 = arith.select %lt3A_118, %select_n3A_130, %get3A_47 : vector<256x128xi1>, vector<256x128xf32>
    %select_n3A_132 = arith.select %lt3A_117, %get3A_82, %add3A_116 : vector<256x128xi1>, vector<256x128xi32>
    %select_n3A_133 = arith.select %lt3A_118, %select_n3A_132, %get3A_87 : vector<256x128xi1>, vector<256x128xi32>
    %select_n3A_134 = arith.select %lt3A_118, %get3A_47, %slice3A : vector<256x128xi1>, vector<256x128xf32>
    %select_n3A_135 = arith.select %lt3A_119, %select_n3A_134, %get3A_52 : vector<256x128xi1>, vector<256x128xf32>
    %select_n3A_136 = arith.select %lt3A_118, %get3A_87, %add3A_116 : vector<256x128xi1>, vector<256x128xi32>
    %select_n3A_137 = arith.select %lt3A_119, %select_n3A_136, %get3A_92 : vector<256x128xi1>, vector<256x128xi32>
    %select_n3A_138 = arith.select %lt3A_119, %get3A_52, %slice3A : vector<256x128xi1>, vector<256x128xf32>
    %select_n3A_139 = arith.select %lt3A_120, %select_n3A_138, %get3A_57 : vector<256x128xi1>, vector<256x128xf32>
    %select_n3A_140 = arith.select %lt3A_119, %get3A_92, %add3A_116 : vector<256x128xi1>, vector<256x128xi32>
    %select_n3A_141 = arith.select %lt3A_120, %select_n3A_140, %get3A_97 : vector<256x128xi1>, vector<256x128xi32>
    %select_n3A_142 = arith.select %lt3A_120, %get3A_57, %slice3A : vector<256x128xi1>, vector<256x128xf32>
    %select_n3A_143 = arith.select %lt3A_121, %select_n3A_142, %get3A_62 : vector<256x128xi1>, vector<256x128xf32>
    %select_n3A_144 = arith.select %lt3A_120, %get3A_97, %add3A_116 : vector<256x128xi1>, vector<256x128xi32>
    %select_n3A_145 = arith.select %lt3A_121, %select_n3A_144, %get3A_102 : vector<256x128xi1>, vector<256x128xi32>
    %select_n3A_146 = arith.select %lt3A_121, %get3A_62, %slice3A : vector<256x128xi1>, vector<256x128xf32>
    %select_n3A_147 = arith.select %lt3A_122, %select_n3A_146, %get3A_67 : vector<256x128xi1>, vector<256x128xf32>
    %select_n3A_148 = arith.select %lt3A_121, %get3A_102, %add3A_116 : vector<256x128xi1>, vector<256x128xi32>
    %select_n3A_149 = arith.select %lt3A_122, %select_n3A_148, %get3A_107 : vector<256x128xi1>, vector<256x128xi32>
    %select_n3A_150 = arith.select %lt3A_122, %get3A_67, %slice3A : vector<256x128xi1>, vector<256x128xf32>
    %select_n3A_151 = arith.select %lt3A_123, %select_n3A_150, %get3A_72 : vector<256x128xi1>, vector<256x128xf32>
    %select_n3A_152 = arith.select %lt3A_122, %get3A_107, %add3A_116 : vector<256x128xi1>, vector<256x128xi32>
    %select_n3A_153 = arith.select %lt3A_123, %select_n3A_152, %get3A_112 : vector<256x128xi1>, vector<256x128xi32>
    %slice3A_154 = vector.extract_strided_slice %select_n3A {offsets = [0, 128], sizes = [256, 128], strides = [1, 1]} : vector<256x512xf32> to vector<256x128xf32>
    %add3A_155 = arith.constant 128 : i32
    %add3A_156 = arith.addi %mul3A_32, %add3A_155 : i32
    %iota3A_157 = tpu.iota {dimensions = array<i32: 1>} : vector<256x128xi32>
    %add3A_158 = vector.broadcast %add3A_156 : i32 to vector<256x128xi32>
    %add3A_159 = arith.addi %add3A_158, %iota3A_157 : vector<256x128xi32>
    %lt3A_160 = arith.cmpf olt, %slice3A_154, %select_n3A_124 : vector<256x128xf32>
    %lt3A_161 = arith.cmpf olt, %slice3A_154, %select_n3A_127 : vector<256x128xf32>
    %lt3A_162 = arith.cmpf olt, %slice3A_154, %select_n3A_131 : vector<256x128xf32>
    %lt3A_163 = arith.cmpf olt, %slice3A_154, %select_n3A_135 : vector<256x128xf32>
    %lt3A_164 = arith.cmpf olt, %slice3A_154, %select_n3A_139 : vector<256x128xf32>
    %lt3A_165 = arith.cmpf olt, %slice3A_154, %select_n3A_143 : vector<256x128xf32>
    %lt3A_166 = arith.cmpf olt, %slice3A_154, %select_n3A_147 : vector<256x128xf32>
    %lt3A_167 = arith.cmpf olt, %slice3A_154, %select_n3A_151 : vector<256x128xf32>
    %select_n3A_168 = arith.select %lt3A_160, %slice3A_154, %select_n3A_124 : vector<256x128xi1>, vector<256x128xf32>
    %select_n3A_169 = arith.select %lt3A_160, %add3A_159, %select_n3A_125 : vector<256x128xi1>, vector<256x128xi32>
    %select_n3A_170 = arith.select %lt3A_160, %select_n3A_124, %slice3A_154 : vector<256x128xi1>, vector<256x128xf32>
    %select_n3A_171 = arith.select %lt3A_161, %select_n3A_170, %select_n3A_127 : vector<256x128xi1>, vector<256x128xf32>
    %select_n3A_172 = arith.select %lt3A_160, %select_n3A_125, %add3A_159 : vector<256x128xi1>, vector<256x128xi32>
    %select_n3A_173 = arith.select %lt3A_161, %select_n3A_172, %select_n3A_129 : vector<256x128xi1>, vector<256x128xi32>
    %select_n3A_174 = arith.select %lt3A_161, %select_n3A_127, %slice3A_154 : vector<256x128xi1>, vector<256x128xf32>
    %select_n3A_175 = arith.select %lt3A_162, %select_n3A_174, %select_n3A_131 : vector<256x128xi1>, vector<256x128xf32>
    %select_n3A_176 = arith.select %lt3A_161, %select_n3A_129, %add3A_159 : vector<256x128xi1>, vector<256x128xi32>
    %select_n3A_177 = arith.select %lt3A_162, %select_n3A_176, %select_n3A_133 : vector<256x128xi1>, vector<256x128xi32>
    %select_n3A_178 = arith.select %lt3A_162, %select_n3A_131, %slice3A_154 : vector<256x128xi1>, vector<256x128xf32>
    %select_n3A_179 = arith.select %lt3A_163, %select_n3A_178, %select_n3A_135 : vector<256x128xi1>, vector<256x128xf32>
    %select_n3A_180 = arith.select %lt3A_162, %select_n3A_133, %add3A_159 : vector<256x128xi1>, vector<256x128xi32>
    %select_n3A_181 = arith.select %lt3A_163, %select_n3A_180, %select_n3A_137 : vector<256x128xi1>, vector<256x128xi32>
    %select_n3A_182 = arith.select %lt3A_163, %select_n3A_135, %slice3A_154 : vector<256x128xi1>, vector<256x128xf32>
    %select_n3A_183 = arith.select %lt3A_164, %select_n3A_182, %select_n3A_139 : vector<256x128xi1>, vector<256x128xf32>
    %select_n3A_184 = arith.select %lt3A_163, %select_n3A_137, %add3A_159 : vector<256x128xi1>, vector<256x128xi32>
    %select_n3A_185 = arith.select %lt3A_164, %select_n3A_184, %select_n3A_141 : vector<256x128xi1>, vector<256x128xi32>
    %select_n3A_186 = arith.select %lt3A_164, %select_n3A_139, %slice3A_154 : vector<256x128xi1>, vector<256x128xf32>
    %select_n3A_187 = arith.select %lt3A_165, %select_n3A_186, %select_n3A_143 : vector<256x128xi1>, vector<256x128xf32>
    %select_n3A_188 = arith.select %lt3A_164, %select_n3A_141, %add3A_159 : vector<256x128xi1>, vector<256x128xi32>
    %select_n3A_189 = arith.select %lt3A_165, %select_n3A_188, %select_n3A_145 : vector<256x128xi1>, vector<256x128xi32>
    %select_n3A_190 = arith.select %lt3A_165, %select_n3A_143, %slice3A_154 : vector<256x128xi1>, vector<256x128xf32>
    %select_n3A_191 = arith.select %lt3A_166, %select_n3A_190, %select_n3A_147 : vector<256x128xi1>, vector<256x128xf32>
    %select_n3A_192 = arith.select %lt3A_165, %select_n3A_145, %add3A_159 : vector<256x128xi1>, vector<256x128xi32>
    %select_n3A_193 = arith.select %lt3A_166, %select_n3A_192, %select_n3A_149 : vector<256x128xi1>, vector<256x128xi32>
    %select_n3A_194 = arith.select %lt3A_166, %select_n3A_147, %slice3A_154 : vector<256x128xi1>, vector<256x128xf32>
    %select_n3A_195 = arith.select %lt3A_167, %select_n3A_194, %select_n3A_151 : vector<256x128xi1>, vector<256x128xf32>
    %select_n3A_196 = arith.select %lt3A_166, %select_n3A_149, %add3A_159 : vector<256x128xi1>, vector<256x128xi32>
    %select_n3A_197 = arith.select %lt3A_167, %select_n3A_196, %select_n3A_153 : vector<256x128xi1>, vector<256x128xi32>
    %slice3A_198 = vector.extract_strided_slice %select_n3A {offsets = [0, 256], sizes = [256, 128], strides = [1, 1]} : vector<256x512xf32> to vector<256x128xf32>
    %add3A_199 = arith.constant 256 : i32
    %add3A_200 = arith.addi %mul3A_32, %add3A_199 : i32
    %iota3A_201 = tpu.iota {dimensions = array<i32: 1>} : vector<256x128xi32>
    %add3A_202 = vector.broadcast %add3A_200 : i32 to vector<256x128xi32>
    %add3A_203 = arith.addi %add3A_202, %iota3A_201 : vector<256x128xi32>
    %lt3A_204 = arith.cmpf olt, %slice3A_198, %select_n3A_168 : vector<256x128xf32>
    %lt3A_205 = arith.cmpf olt, %slice3A_198, %select_n3A_171 : vector<256x128xf32>
    %lt3A_206 = arith.cmpf olt, %slice3A_198, %select_n3A_175 : vector<256x128xf32>
    %lt3A_207 = arith.cmpf olt, %slice3A_198, %select_n3A_179 : vector<256x128xf32>
    %lt3A_208 = arith.cmpf olt, %slice3A_198, %select_n3A_183 : vector<256x128xf32>
    %lt3A_209 = arith.cmpf olt, %slice3A_198, %select_n3A_187 : vector<256x128xf32>
    %lt3A_210 = arith.cmpf olt, %slice3A_198, %select_n3A_191 : vector<256x128xf32>
    %lt3A_211 = arith.cmpf olt, %slice3A_198, %select_n3A_195 : vector<256x128xf32>
    %select_n3A_212 = arith.select %lt3A_204, %slice3A_198, %select_n3A_168 : vector<256x128xi1>, vector<256x128xf32>
    %select_n3A_213 = arith.select %lt3A_204, %add3A_203, %select_n3A_169 : vector<256x128xi1>, vector<256x128xi32>
    %select_n3A_214 = arith.select %lt3A_204, %select_n3A_168, %slice3A_198 : vector<256x128xi1>, vector<256x128xf32>
    %select_n3A_215 = arith.select %lt3A_205, %select_n3A_214, %select_n3A_171 : vector<256x128xi1>, vector<256x128xf32>
    %select_n3A_216 = arith.select %lt3A_204, %select_n3A_169, %add3A_203 : vector<256x128xi1>, vector<256x128xi32>
    %select_n3A_217 = arith.select %lt3A_205, %select_n3A_216, %select_n3A_173 : vector<256x128xi1>, vector<256x128xi32>
    %select_n3A_218 = arith.select %lt3A_205, %select_n3A_171, %slice3A_198 : vector<256x128xi1>, vector<256x128xf32>
    %select_n3A_219 = arith.select %lt3A_206, %select_n3A_218, %select_n3A_175 : vector<256x128xi1>, vector<256x128xf32>
    %select_n3A_220 = arith.select %lt3A_205, %select_n3A_173, %add3A_203 : vector<256x128xi1>, vector<256x128xi32>
    %select_n3A_221 = arith.select %lt3A_206, %select_n3A_220, %select_n3A_177 : vector<256x128xi1>, vector<256x128xi32>
    %select_n3A_222 = arith.select %lt3A_206, %select_n3A_175, %slice3A_198 : vector<256x128xi1>, vector<256x128xf32>
    %select_n3A_223 = arith.select %lt3A_207, %select_n3A_222, %select_n3A_179 : vector<256x128xi1>, vector<256x128xf32>
    %select_n3A_224 = arith.select %lt3A_206, %select_n3A_177, %add3A_203 : vector<256x128xi1>, vector<256x128xi32>
    %select_n3A_225 = arith.select %lt3A_207, %select_n3A_224, %select_n3A_181 : vector<256x128xi1>, vector<256x128xi32>
    %select_n3A_226 = arith.select %lt3A_207, %select_n3A_179, %slice3A_198 : vector<256x128xi1>, vector<256x128xf32>
    %select_n3A_227 = arith.select %lt3A_208, %select_n3A_226, %select_n3A_183 : vector<256x128xi1>, vector<256x128xf32>
    %select_n3A_228 = arith.select %lt3A_207, %select_n3A_181, %add3A_203 : vector<256x128xi1>, vector<256x128xi32>
    %select_n3A_229 = arith.select %lt3A_208, %select_n3A_228, %select_n3A_185 : vector<256x128xi1>, vector<256x128xi32>
    %select_n3A_230 = arith.select %lt3A_208, %select_n3A_183, %slice3A_198 : vector<256x128xi1>, vector<256x128xf32>
    %select_n3A_231 = arith.select %lt3A_209, %select_n3A_230, %select_n3A_187 : vector<256x128xi1>, vector<256x128xf32>
    %select_n3A_232 = arith.select %lt3A_208, %select_n3A_185, %add3A_203 : vector<256x128xi1>, vector<256x128xi32>
    %select_n3A_233 = arith.select %lt3A_209, %select_n3A_232, %select_n3A_189 : vector<256x128xi1>, vector<256x128xi32>
    %select_n3A_234 = arith.select %lt3A_209, %select_n3A_187, %slice3A_198 : vector<256x128xi1>, vector<256x128xf32>
    %select_n3A_235 = arith.select %lt3A_210, %select_n3A_234, %select_n3A_191 : vector<256x128xi1>, vector<256x128xf32>
    %select_n3A_236 = arith.select %lt3A_209, %select_n3A_189, %add3A_203 : vector<256x128xi1>, vector<256x128xi32>
    %select_n3A_237 = arith.select %lt3A_210, %select_n3A_236, %select_n3A_193 : vector<256x128xi1>, vector<256x128xi32>
    %select_n3A_238 = arith.select %lt3A_210, %select_n3A_191, %slice3A_198 : vector<256x128xi1>, vector<256x128xf32>
    %select_n3A_239 = arith.select %lt3A_211, %select_n3A_238, %select_n3A_195 : vector<256x128xi1>, vector<256x128xf32>
    %select_n3A_240 = arith.select %lt3A_210, %select_n3A_193, %add3A_203 : vector<256x128xi1>, vector<256x128xi32>
    %select_n3A_241 = arith.select %lt3A_211, %select_n3A_240, %select_n3A_197 : vector<256x128xi1>, vector<256x128xi32>
    %slice3A_242 = vector.extract_strided_slice %select_n3A {offsets = [0, 384], sizes = [256, 128], strides = [1, 1]} : vector<256x512xf32> to vector<256x128xf32>
    %add3A_243 = arith.constant 384 : i32
    %add3A_244 = arith.addi %mul3A_32, %add3A_243 : i32
    %iota3A_245 = tpu.iota {dimensions = array<i32: 1>} : vector<256x128xi32>
    %add3A_246 = vector.broadcast %add3A_244 : i32 to vector<256x128xi32>
    %add3A_247 = arith.addi %add3A_246, %iota3A_245 : vector<256x128xi32>
    %lt3A_248 = arith.cmpf olt, %slice3A_242, %select_n3A_212 : vector<256x128xf32>
    %lt3A_249 = arith.cmpf olt, %slice3A_242, %select_n3A_215 : vector<256x128xf32>
    %lt3A_250 = arith.cmpf olt, %slice3A_242, %select_n3A_219 : vector<256x128xf32>
    %lt3A_251 = arith.cmpf olt, %slice3A_242, %select_n3A_223 : vector<256x128xf32>
    %lt3A_252 = arith.cmpf olt, %slice3A_242, %select_n3A_227 : vector<256x128xf32>
    %lt3A_253 = arith.cmpf olt, %slice3A_242, %select_n3A_231 : vector<256x128xf32>
    %lt3A_254 = arith.cmpf olt, %slice3A_242, %select_n3A_235 : vector<256x128xf32>
    %lt3A_255 = arith.cmpf olt, %slice3A_242, %select_n3A_239 : vector<256x128xf32>
    %select_n3A_256 = arith.select %lt3A_248, %slice3A_242, %select_n3A_212 : vector<256x128xi1>, vector<256x128xf32>
    %select_n3A_257 = arith.select %lt3A_248, %add3A_247, %select_n3A_213 : vector<256x128xi1>, vector<256x128xi32>
    %select_n3A_258 = arith.select %lt3A_248, %select_n3A_212, %slice3A_242 : vector<256x128xi1>, vector<256x128xf32>
    %select_n3A_259 = arith.select %lt3A_249, %select_n3A_258, %select_n3A_215 : vector<256x128xi1>, vector<256x128xf32>
    %select_n3A_260 = arith.select %lt3A_248, %select_n3A_213, %add3A_247 : vector<256x128xi1>, vector<256x128xi32>
    %select_n3A_261 = arith.select %lt3A_249, %select_n3A_260, %select_n3A_217 : vector<256x128xi1>, vector<256x128xi32>
    %select_n3A_262 = arith.select %lt3A_249, %select_n3A_215, %slice3A_242 : vector<256x128xi1>, vector<256x128xf32>
    %select_n3A_263 = arith.select %lt3A_250, %select_n3A_262, %select_n3A_219 : vector<256x128xi1>, vector<256x128xf32>
    %select_n3A_264 = arith.select %lt3A_249, %select_n3A_217, %add3A_247 : vector<256x128xi1>, vector<256x128xi32>
    %select_n3A_265 = arith.select %lt3A_250, %select_n3A_264, %select_n3A_221 : vector<256x128xi1>, vector<256x128xi32>
    %select_n3A_266 = arith.select %lt3A_250, %select_n3A_219, %slice3A_242 : vector<256x128xi1>, vector<256x128xf32>
    %select_n3A_267 = arith.select %lt3A_251, %select_n3A_266, %select_n3A_223 : vector<256x128xi1>, vector<256x128xf32>
    %select_n3A_268 = arith.select %lt3A_250, %select_n3A_221, %add3A_247 : vector<256x128xi1>, vector<256x128xi32>
    %select_n3A_269 = arith.select %lt3A_251, %select_n3A_268, %select_n3A_225 : vector<256x128xi1>, vector<256x128xi32>
    %select_n3A_270 = arith.select %lt3A_251, %select_n3A_223, %slice3A_242 : vector<256x128xi1>, vector<256x128xf32>
    %select_n3A_271 = arith.select %lt3A_252, %select_n3A_270, %select_n3A_227 : vector<256x128xi1>, vector<256x128xf32>
    %select_n3A_272 = arith.select %lt3A_251, %select_n3A_225, %add3A_247 : vector<256x128xi1>, vector<256x128xi32>
    %select_n3A_273 = arith.select %lt3A_252, %select_n3A_272, %select_n3A_229 : vector<256x128xi1>, vector<256x128xi32>
    %select_n3A_274 = arith.select %lt3A_252, %select_n3A_227, %slice3A_242 : vector<256x128xi1>, vector<256x128xf32>
    %select_n3A_275 = arith.select %lt3A_253, %select_n3A_274, %select_n3A_231 : vector<256x128xi1>, vector<256x128xf32>
    %select_n3A_276 = arith.select %lt3A_252, %select_n3A_229, %add3A_247 : vector<256x128xi1>, vector<256x128xi32>
    %select_n3A_277 = arith.select %lt3A_253, %select_n3A_276, %select_n3A_233 : vector<256x128xi1>, vector<256x128xi32>
    %select_n3A_278 = arith.select %lt3A_253, %select_n3A_231, %slice3A_242 : vector<256x128xi1>, vector<256x128xf32>
    %select_n3A_279 = arith.select %lt3A_254, %select_n3A_278, %select_n3A_235 : vector<256x128xi1>, vector<256x128xf32>
    %select_n3A_280 = arith.select %lt3A_253, %select_n3A_233, %add3A_247 : vector<256x128xi1>, vector<256x128xi32>
    %select_n3A_281 = arith.select %lt3A_254, %select_n3A_280, %select_n3A_237 : vector<256x128xi1>, vector<256x128xi32>
    %select_n3A_282 = arith.select %lt3A_254, %select_n3A_235, %slice3A_242 : vector<256x128xi1>, vector<256x128xf32>
    %select_n3A_283 = arith.select %lt3A_255, %select_n3A_282, %select_n3A_239 : vector<256x128xi1>, vector<256x128xf32>
    %select_n3A_284 = arith.select %lt3A_254, %select_n3A_237, %add3A_247 : vector<256x128xi1>, vector<256x128xi32>
    %select_n3A_285 = arith.select %lt3A_255, %select_n3A_284, %select_n3A_241 : vector<256x128xi1>, vector<256x128xi32>
    %swap3A = arith.constant 0 : index
    %swap3A_286 = arith.constant 0 : index
    %swap3A_287 = arith.constant 0 : index
    %swap3A_288 = vector.load %arg10[%swap3A, %swap3A_286, %swap3A_287] : memref<8x256x128xf32, #tpu.memory_space<vmem>>, vector<1x256x128xf32>
    %swap3A_289 = vector.shape_cast %swap3A_288 : vector<1x256x128xf32> to vector<256x128xf32>
    %swap3A_290 = vector.shape_cast %select_n3A_256 : vector<256x128xf32> to vector<1x256x128xf32>
    tpu.vector_store %arg10[%swap3A, %swap3A_286, %swap3A_287], %swap3A_290 {strides = array<i32>} : memref<8x256x128xf32, #tpu.memory_space<vmem>>, vector<1x256x128xf32>,
    %swap3A_291 = arith.constant 0 : index
    %swap3A_292 = arith.constant 0 : index
    %swap3A_293 = arith.constant 0 : index
    %swap3A_294 = vector.load %arg11[%swap3A_291, %swap3A_292, %swap3A_293] : memref<8x256x128xi32, #tpu.memory_space<vmem>>, vector<1x256x128xi32>
    %swap3A_295 = vector.shape_cast %swap3A_294 : vector<1x256x128xi32> to vector<256x128xi32>
    %swap3A_296 = vector.shape_cast %select_n3A_257 : vector<256x128xi32> to vector<1x256x128xi32>
    tpu.vector_store %arg11[%swap3A_291, %swap3A_292, %swap3A_293], %swap3A_296 {strides = array<i32>} : memref<8x256x128xi32, #tpu.memory_space<vmem>>, vector<1x256x128xi32>,
    %swap3A_297 = arith.constant 1 : index
    %swap3A_298 = arith.constant 0 : index
    %swap3A_299 = arith.constant 0 : index
    %swap3A_300 = vector.load %arg10[%swap3A_297, %swap3A_298, %swap3A_299] : memref<8x256x128xf32, #tpu.memory_space<vmem>>, vector<1x256x128xf32>
    %swap3A_301 = vector.shape_cast %swap3A_300 : vector<1x256x128xf32> to vector<256x128xf32>
    %swap3A_302 = vector.shape_cast %select_n3A_259 : vector<256x128xf32> to vector<1x256x128xf32>
    tpu.vector_store %arg10[%swap3A_297, %swap3A_298, %swap3A_299], %swap3A_302 {strides = array<i32>} : memref<8x256x128xf32, #tpu.memory_space<vmem>>, vector<1x256x128xf32>,
    %swap3A_303 = arith.constant 1 : index
    %swap3A_304 = arith.constant 0 : index
    %swap3A_305 = arith.constant 0 : index
    %swap3A_306 = vector.load %arg11[%swap3A_303, %swap3A_304, %swap3A_305] : memref<8x256x128xi32, #tpu.memory_space<vmem>>, vector<1x256x128xi32>
    %swap3A_307 = vector.shape_cast %swap3A_306 : vector<1x256x128xi32> to vector<256x128xi32>
    %swap3A_308 = vector.shape_cast %select_n3A_261 : vector<256x128xi32> to vector<1x256x128xi32>
    tpu.vector_store %arg11[%swap3A_303, %swap3A_304, %swap3A_305], %swap3A_308 {strides = array<i32>} : memref<8x256x128xi32, #tpu.memory_space<vmem>>, vector<1x256x128xi32>,
    %swap3A_309 = arith.constant 2 : index
    %swap3A_310 = arith.constant 0 : index
    %swap3A_311 = arith.constant 0 : index
    %swap3A_312 = vector.load %arg10[%swap3A_309, %swap3A_310, %swap3A_311] : memref<8x256x128xf32, #tpu.memory_space<vmem>>, vector<1x256x128xf32>
    %swap3A_313 = vector.shape_cast %swap3A_312 : vector<1x256x128xf32> to vector<256x128xf32>
    %swap3A_314 = vector.shape_cast %select_n3A_263 : vector<256x128xf32> to vector<1x256x128xf32>
    tpu.vector_store %arg10[%swap3A_309, %swap3A_310, %swap3A_311], %swap3A_314 {strides = array<i32>} : memref<8x256x128xf32, #tpu.memory_space<vmem>>, vector<1x256x128xf32>,
    %swap3A_315 = arith.constant 2 : index
    %swap3A_316 = arith.constant 0 : index
    %swap3A_317 = arith.constant 0 : index
    %swap3A_318 = vector.load %arg11[%swap3A_315, %swap3A_316, %swap3A_317] : memref<8x256x128xi32, #tpu.memory_space<vmem>>, vector<1x256x128xi32>
    %swap3A_319 = vector.shape_cast %swap3A_318 : vector<1x256x128xi32> to vector<256x128xi32>
    %swap3A_320 = vector.shape_cast %select_n3A_265 : vector<256x128xi32> to vector<1x256x128xi32>
    tpu.vector_store %arg11[%swap3A_315, %swap3A_316, %swap3A_317], %swap3A_320 {strides = array<i32>} : memref<8x256x128xi32, #tpu.memory_space<vmem>>, vector<1x256x128xi32>,
    %swap3A_321 = arith.constant 3 : index
    %swap3A_322 = arith.constant 0 : index
    %swap3A_323 = arith.constant 0 : index
    %swap3A_324 = vector.load %arg10[%swap3A_321, %swap3A_322, %swap3A_323] : memref<8x256x128xf32, #tpu.memory_space<vmem>>, vector<1x256x128xf32>
    %swap3A_325 = vector.shape_cast %swap3A_324 : vector<1x256x128xf32> to vector<256x128xf32>
    %swap3A_326 = vector.shape_cast %select_n3A_267 : vector<256x128xf32> to vector<1x256x128xf32>
    tpu.vector_store %arg10[%swap3A_321, %swap3A_322, %swap3A_323], %swap3A_326 {strides = array<i32>} : memref<8x256x128xf32, #tpu.memory_space<vmem>>, vector<1x256x128xf32>,
    %swap3A_327 = arith.constant 3 : index
    %swap3A_328 = arith.constant 0 : index
    %swap3A_329 = arith.constant 0 : index
    %swap3A_330 = vector.load %arg11[%swap3A_327, %swap3A_328, %swap3A_329] : memref<8x256x128xi32, #tpu.memory_space<vmem>>, vector<1x256x128xi32>
    %swap3A_331 = vector.shape_cast %swap3A_330 : vector<1x256x128xi32> to vector<256x128xi32>
    %swap3A_332 = vector.shape_cast %select_n3A_269 : vector<256x128xi32> to vector<1x256x128xi32>
    tpu.vector_store %arg11[%swap3A_327, %swap3A_328, %swap3A_329], %swap3A_332 {strides = array<i32>} : memref<8x256x128xi32, #tpu.memory_space<vmem>>, vector<1x256x128xi32>,
    %swap3A_333 = arith.constant 4 : index
    %swap3A_334 = arith.constant 0 : index
    %swap3A_335 = arith.constant 0 : index
    %swap3A_336 = vector.load %arg10[%swap3A_333, %swap3A_334, %swap3A_335] : memref<8x256x128xf32, #tpu.memory_space<vmem>>, vector<1x256x128xf32>
    %swap3A_337 = vector.shape_cast %swap3A_336 : vector<1x256x128xf32> to vector<256x128xf32>
    %swap3A_338 = vector.shape_cast %select_n3A_271 : vector<256x128xf32> to vector<1x256x128xf32>
    tpu.vector_store %arg10[%swap3A_333, %swap3A_334, %swap3A_335], %swap3A_338 {strides = array<i32>} : memref<8x256x128xf32, #tpu.memory_space<vmem>>, vector<1x256x128xf32>,
    %swap3A_339 = arith.constant 4 : index
    %swap3A_340 = arith.constant 0 : index
    %swap3A_341 = arith.constant 0 : index
    %swap3A_342 = vector.load %arg11[%swap3A_339, %swap3A_340, %swap3A_341] : memref<8x256x128xi32, #tpu.memory_space<vmem>>, vector<1x256x128xi32>
    %swap3A_343 = vector.shape_cast %swap3A_342 : vector<1x256x128xi32> to vector<256x128xi32>
    %swap3A_344 = vector.shape_cast %select_n3A_273 : vector<256x128xi32> to vector<1x256x128xi32>
    tpu.vector_store %arg11[%swap3A_339, %swap3A_340, %swap3A_341], %swap3A_344 {strides = array<i32>} : memref<8x256x128xi32, #tpu.memory_space<vmem>>, vector<1x256x128xi32>,
    %swap3A_345 = arith.constant 5 : index
    %swap3A_346 = arith.constant 0 : index
    %swap3A_347 = arith.constant 0 : index
    %swap3A_348 = vector.load %arg10[%swap3A_345, %swap3A_346, %swap3A_347] : memref<8x256x128xf32, #tpu.memory_space<vmem>>, vector<1x256x128xf32>
    %swap3A_349 = vector.shape_cast %swap3A_348 : vector<1x256x128xf32> to vector<256x128xf32>
    %swap3A_350 = vector.shape_cast %select_n3A_275 : vector<256x128xf32> to vector<1x256x128xf32>
    tpu.vector_store %arg10[%swap3A_345, %swap3A_346, %swap3A_347], %swap3A_350 {strides = array<i32>} : memref<8x256x128xf32, #tpu.memory_space<vmem>>, vector<1x256x128xf32>,
    %swap3A_351 = arith.constant 5 : index
    %swap3A_352 = arith.constant 0 : index
    %swap3A_353 = arith.constant 0 : index
    %swap3A_354 = vector.load %arg11[%swap3A_351, %swap3A_352, %swap3A_353] : memref<8x256x128xi32, #tpu.memory_space<vmem>>, vector<1x256x128xi32>
    %swap3A_355 = vector.shape_cast %swap3A_354 : vector<1x256x128xi32> to vector<256x128xi32>
    %swap3A_356 = vector.shape_cast %select_n3A_277 : vector<256x128xi32> to vector<1x256x128xi32>
    tpu.vector_store %arg11[%swap3A_351, %swap3A_352, %swap3A_353], %swap3A_356 {strides = array<i32>} : memref<8x256x128xi32, #tpu.memory_space<vmem>>, vector<1x256x128xi32>,
    %swap3A_357 = arith.constant 6 : index
    %swap3A_358 = arith.constant 0 : index
    %swap3A_359 = arith.constant 0 : index
    %swap3A_360 = vector.load %arg10[%swap3A_357, %swap3A_358, %swap3A_359] : memref<8x256x128xf32, #tpu.memory_space<vmem>>, vector<1x256x128xf32>
    %swap3A_361 = vector.shape_cast %swap3A_360 : vector<1x256x128xf32> to vector<256x128xf32>
    %swap3A_362 = vector.shape_cast %select_n3A_279 : vector<256x128xf32> to vector<1x256x128xf32>
    tpu.vector_store %arg10[%swap3A_357, %swap3A_358, %swap3A_359], %swap3A_362 {strides = array<i32>} : memref<8x256x128xf32, #tpu.memory_space<vmem>>, vector<1x256x128xf32>,
    %swap3A_363 = arith.constant 6 : index
    %swap3A_364 = arith.constant 0 : index
    %swap3A_365 = arith.constant 0 : index
    %swap3A_366 = vector.load %arg11[%swap3A_363, %swap3A_364, %swap3A_365] : memref<8x256x128xi32, #tpu.memory_space<vmem>>, vector<1x256x128xi32>
    %swap3A_367 = vector.shape_cast %swap3A_366 : vector<1x256x128xi32> to vector<256x128xi32>
    %swap3A_368 = vector.shape_cast %select_n3A_281 : vector<256x128xi32> to vector<1x256x128xi32>
    tpu.vector_store %arg11[%swap3A_363, %swap3A_364, %swap3A_365], %swap3A_368 {strides = array<i32>} : memref<8x256x128xi32, #tpu.memory_space<vmem>>, vector<1x256x128xi32>,
    %swap3A_369 = arith.constant 7 : index
    %swap3A_370 = arith.constant 0 : index
    %swap3A_371 = arith.constant 0 : index
    %swap3A_372 = vector.load %arg10[%swap3A_369, %swap3A_370, %swap3A_371] : memref<8x256x128xf32, #tpu.memory_space<vmem>>, vector<1x256x128xf32>
    %swap3A_373 = vector.shape_cast %swap3A_372 : vector<1x256x128xf32> to vector<256x128xf32>
    %swap3A_374 = vector.shape_cast %select_n3A_283 : vector<256x128xf32> to vector<1x256x128xf32>
    tpu.vector_store %arg10[%swap3A_369, %swap3A_370, %swap3A_371], %swap3A_374 {strides = array<i32>} : memref<8x256x128xf32, #tpu.memory_space<vmem>>, vector<1x256x128xf32>,
    %swap3A_375 = arith.constant 7 : index
    %swap3A_376 = arith.constant 0 : index
    %swap3A_377 = arith.constant 0 : index
    %swap3A_378 = vector.load %arg11[%swap3A_375, %swap3A_376, %swap3A_377] : memref<8x256x128xi32, #tpu.memory_space<vmem>>, vector<1x256x128xi32>
    %swap3A_379 = vector.shape_cast %swap3A_378 : vector<1x256x128xi32> to vector<256x128xi32>
    %swap3A_380 = vector.shape_cast %select_n3A_285 : vector<256x128xi32> to vector<1x256x128xi32>
    tpu.vector_store %arg11[%swap3A_375, %swap3A_376, %swap3A_377], %swap3A_380 {strides = array<i32>} : memref<8x256x128xi32, #tpu.memory_space<vmem>>, vector<1x256x128xi32>,
    %eq3A_381 = arith.constant 127 : i32
    %eq3A_382 = arith.cmpi eq, %arg1, %eq3A_381 : i32
    %convert_element_type3A_383 = arith.extui %eq3A_382 : i1 to i32
    %cond3A_384 = arith.constant 0 : i32
    %cond3A_385 = arith.cmpi ne, %convert_element_type3A_383, %cond3A_384 : i32
    scf.if %cond3A_385 {
      %get3A_386 = arith.constant 0 : index
      %get3A_387 = arith.constant 0 : index
      %get3A_388 = arith.constant 0 : index
      %get3A_389 = vector.load %arg10[%get3A_386, %get3A_387, %get3A_388] : memref<8x256x128xf32, #tpu.memory_space<vmem>>, vector<1x256x128xf32>
      %get3A_390 = vector.shape_cast %get3A_389 : vector<1x256x128xf32> to vector<256x128xf32>
      %get3A_391 = arith.constant 1 : index
      %get3A_392 = arith.constant 0 : index
      %get3A_393 = arith.constant 0 : index
      %get3A_394 = vector.load %arg10[%get3A_391, %get3A_392, %get3A_393] : memref<8x256x128xf32, #tpu.memory_space<vmem>>, vector<1x256x128xf32>
      %get3A_395 = vector.shape_cast %get3A_394 : vector<1x256x128xf32> to vector<256x128xf32>
      %get3A_396 = arith.constant 2 : index
      %get3A_397 = arith.constant 0 : index
      %get3A_398 = arith.constant 0 : index
      %get3A_399 = vector.load %arg10[%get3A_396, %get3A_397, %get3A_398] : memref<8x256x128xf32, #tpu.memory_space<vmem>>, vector<1x256x128xf32>
      %get3A_400 = vector.shape_cast %get3A_399 : vector<1x256x128xf32> to vector<256x128xf32>
      %get3A_401 = arith.constant 3 : index
      %get3A_402 = arith.constant 0 : index
      %get3A_403 = arith.constant 0 : index
      %get3A_404 = vector.load %arg10[%get3A_401, %get3A_402, %get3A_403] : memref<8x256x128xf32, #tpu.memory_space<vmem>>, vector<1x256x128xf32>
      %get3A_405 = vector.shape_cast %get3A_404 : vector<1x256x128xf32> to vector<256x128xf32>
      %get3A_406 = arith.constant 4 : index
      %get3A_407 = arith.constant 0 : index
      %get3A_408 = arith.constant 0 : index
      %get3A_409 = vector.load %arg10[%get3A_406, %get3A_407, %get3A_408] : memref<8x256x128xf32, #tpu.memory_space<vmem>>, vector<1x256x128xf32>
      %get3A_410 = vector.shape_cast %get3A_409 : vector<1x256x128xf32> to vector<256x128xf32>
      %get3A_411 = arith.constant 5 : index
      %get3A_412 = arith.constant 0 : index
      %get3A_413 = arith.constant 0 : index
      %get3A_414 = vector.load %arg10[%get3A_411, %get3A_412, %get3A_413] : memref<8x256x128xf32, #tpu.memory_space<vmem>>, vector<1x256x128xf32>
      %get3A_415 = vector.shape_cast %get3A_414 : vector<1x256x128xf32> to vector<256x128xf32>
      %get3A_416 = arith.constant 6 : index
      %get3A_417 = arith.constant 0 : index
      %get3A_418 = arith.constant 0 : index
      %get3A_419 = vector.load %arg10[%get3A_416, %get3A_417, %get3A_418] : memref<8x256x128xf32, #tpu.memory_space<vmem>>, vector<1x256x128xf32>
      %get3A_420 = vector.shape_cast %get3A_419 : vector<1x256x128xf32> to vector<256x128xf32>
      %get3A_421 = arith.constant 7 : index
      %get3A_422 = arith.constant 0 : index
      %get3A_423 = arith.constant 0 : index
      %get3A_424 = vector.load %arg10[%get3A_421, %get3A_422, %get3A_423] : memref<8x256x128xf32, #tpu.memory_space<vmem>>, vector<1x256x128xf32>
      %get3A_425 = vector.shape_cast %get3A_424 : vector<1x256x128xf32> to vector<256x128xf32>
      %stack3A = vector.shape_cast %get3A_390 : vector<256x128xf32> to vector<1x256x128xf32>
      %stack3A_426 = vector.shape_cast %get3A_395 : vector<256x128xf32> to vector<1x256x128xf32>
      %stack3A_427 = vector.shape_cast %get3A_400 : vector<256x128xf32> to vector<1x256x128xf32>
      %stack3A_428 = vector.shape_cast %get3A_405 : vector<256x128xf32> to vector<1x256x128xf32>
      %stack3A_429 = vector.shape_cast %get3A_410 : vector<256x128xf32> to vector<1x256x128xf32>
      %stack3A_430 = vector.shape_cast %get3A_415 : vector<256x128xf32> to vector<1x256x128xf32>
      %stack3A_431 = vector.shape_cast %get3A_420 : vector<256x128xf32> to vector<1x256x128xf32>
      %stack3A_432 = vector.shape_cast %get3A_425 : vector<256x128xf32> to vector<1x256x128xf32>
      %stack3A_433 = tpu.concatenate %stack3A, %stack3A_426, %stack3A_427, %stack3A_428, %stack3A_429, %stack3A_430, %stack3A_431, %stack3A_432 in 0 : vector<1x256x128xf32>, vector<1x256x128xf32>, vector<1x256x128xf32>, vector<1x256x128xf32>, vector<1x256x128xf32>, vector<1x256x128xf32>, vector<1x256x128xf32>, vector<1x256x128xf32> -> vector<8x256x128xf32>
      %get3A_434 = arith.constant 0 : index
      %get3A_435 = arith.constant 0 : index
      %get3A_436 = arith.constant 0 : index
      %get3A_437 = vector.load %arg11[%get3A_434, %get3A_435, %get3A_436] : memref<8x256x128xi32, #tpu.memory_space<vmem>>, vector<1x256x128xi32>
      %get3A_438 = vector.shape_cast %get3A_437 : vector<1x256x128xi32> to vector<256x128xi32>
      %get3A_439 = arith.constant 1 : index
      %get3A_440 = arith.constant 0 : index
      %get3A_441 = arith.constant 0 : index
      %get3A_442 = vector.load %arg11[%get3A_439, %get3A_440, %get3A_441] : memref<8x256x128xi32, #tpu.memory_space<vmem>>, vector<1x256x128xi32>
      %get3A_443 = vector.shape_cast %get3A_442 : vector<1x256x128xi32> to vector<256x128xi32>
      %get3A_444 = arith.constant 2 : index
      %get3A_445 = arith.constant 0 : index
      %get3A_446 = arith.constant 0 : index
      %get3A_447 = vector.load %arg11[%get3A_444, %get3A_445, %get3A_446] : memref<8x256x128xi32, #tpu.memory_space<vmem>>, vector<1x256x128xi32>
      %get3A_448 = vector.shape_cast %get3A_447 : vector<1x256x128xi32> to vector<256x128xi32>
      %get3A_449 = arith.constant 3 : index
      %get3A_450 = arith.constant 0 : index
      %get3A_451 = arith.constant 0 : index
      %get3A_452 = vector.load %arg11[%get3A_449, %get3A_450, %get3A_451] : memref<8x256x128xi32, #tpu.memory_space<vmem>>, vector<1x256x128xi32>
      %get3A_453 = vector.shape_cast %get3A_452 : vector<1x256x128xi32> to vector<256x128xi32>
      %get3A_454 = arith.constant 4 : index
      %get3A_455 = arith.constant 0 : index
      %get3A_456 = arith.constant 0 : index
      %get3A_457 = vector.load %arg11[%get3A_454, %get3A_455, %get3A_456] : memref<8x256x128xi32, #tpu.memory_space<vmem>>, vector<1x256x128xi32>
      %get3A_458 = vector.shape_cast %get3A_457 : vector<1x256x128xi32> to vector<256x128xi32>
      %get3A_459 = arith.constant 5 : index
      %get3A_460 = arith.constant 0 : index
      %get3A_461 = arith.constant 0 : index
      %get3A_462 = vector.load %arg11[%get3A_459, %get3A_460, %get3A_461] : memref<8x256x128xi32, #tpu.memory_space<vmem>>, vector<1x256x128xi32>
      %get3A_463 = vector.shape_cast %get3A_462 : vector<1x256x128xi32> to vector<256x128xi32>
      %get3A_464 = arith.constant 6 : index
      %get3A_465 = arith.constant 0 : index
      %get3A_466 = arith.constant 0 : index
      %get3A_467 = vector.load %arg11[%get3A_464, %get3A_465, %get3A_466] : memref<8x256x128xi32, #tpu.memory_space<vmem>>, vector<1x256x128xi32>
      %get3A_468 = vector.shape_cast %get3A_467 : vector<1x256x128xi32> to vector<256x128xi32>
      %get3A_469 = arith.constant 7 : index
      %get3A_470 = arith.constant 0 : index
      %get3A_471 = arith.constant 0 : index
      %get3A_472 = vector.load %arg11[%get3A_469, %get3A_470, %get3A_471] : memref<8x256x128xi32, #tpu.memory_space<vmem>>, vector<1x256x128xi32>
      %get3A_473 = vector.shape_cast %get3A_472 : vector<1x256x128xi32> to vector<256x128xi32>
      %stack3A_474 = vector.shape_cast %get3A_438 : vector<256x128xi32> to vector<1x256x128xi32>
      %stack3A_475 = vector.shape_cast %get3A_443 : vector<256x128xi32> to vector<1x256x128xi32>
      %stack3A_476 = vector.shape_cast %get3A_448 : vector<256x128xi32> to vector<1x256x128xi32>
      %stack3A_477 = vector.shape_cast %get3A_453 : vector<256x128xi32> to vector<1x256x128xi32>
      %stack3A_478 = vector.shape_cast %get3A_458 : vector<256x128xi32> to vector<1x256x128xi32>
      %stack3A_479 = vector.shape_cast %get3A_463 : vector<256x128xi32> to vector<1x256x128xi32>
      %stack3A_480 = vector.shape_cast %get3A_468 : vector<256x128xi32> to vector<1x256x128xi32>
      %stack3A_481 = vector.shape_cast %get3A_473 : vector<256x128xi32> to vector<1x256x128xi32>
      %stack3A_482 = tpu.concatenate %stack3A_474, %stack3A_475, %stack3A_476, %stack3A_477, %stack3A_478, %stack3A_479, %stack3A_480, %stack3A_481 in 0 : vector<1x256x128xi32>, vector<1x256x128xi32>, vector<1x256x128xi32>, vector<1x256x128xi32>, vector<1x256x128xi32>, vector<1x256x128xi32>, vector<1x256x128xi32>, vector<1x256x128xi32> -> vector<8x256x128xi32>
      %reduce_min3A = arith.constant dense<0x7F800000> : vector<256x128xf32>
      %reduce_min3A_483 = vector.multi_reduction <minimumf>, %stack3A_433, %reduce_min3A [0] : vector<8x256x128xf32> to vector<256x128xf32>
      %reduce_min3A_484 = arith.constant dense<0x7F800000> : vector<256xf32>
      %reduce_min3A_485 = vector.multi_reduction <minimumf>, %reduce_min3A_483, %reduce_min3A_484 [1] : vector<256x128xf32> to vector<256xf32>
      %broadcast_in_dim3A_486 = vector.shape_cast %reduce_min3A_485 : vector<256xf32> to vector<256x1xf32>
      %broadcast_in_dim3A_487 = vector.shape_cast %broadcast_in_dim3A_486 : vector<256x1xf32> to vector<1x256x1xf32>
      %eq3A_488 = vector.broadcast %broadcast_in_dim3A_487 : vector<1x256x1xf32> to vector<8x256x128xf32>
      %eq3A_489 = arith.cmpf oeq, %stack3A_433, %eq3A_488 : vector<8x256x128xf32>
      %jit3A_490 = arith.constant 1073741824 : i32
      %broadcast_in_dim3A_491 = vector.broadcast %jit3A_490 : i32 to vector<8x256x128xi32>
      %select_n3A_492 = arith.select %eq3A_489, %stack3A_482, %broadcast_in_dim3A_491 : vector<8x256x128xi1>, vector<8x256x128xi32>
      %reduce_min3A_493 = arith.constant dense<2147483647> : vector<256x128xi32>
      %reduce_min3A_494 = vector.multi_reduction <minsi>, %select_n3A_492, %reduce_min3A_493 [0] : vector<8x256x128xi32> to vector<256x128xi32>
      %reduce_min3A_495 = arith.constant dense<2147483647> : vector<256xi32>
      %reduce_min3A_496 = vector.multi_reduction <minsi>, %reduce_min3A_494, %reduce_min3A_495 [1] : vector<256x128xi32> to vector<256xi32>
      %broadcast_in_dim3A_497 = vector.shape_cast %reduce_min3A_496 : vector<256xi32> to vector<256x1xi32>
      %broadcast_in_dim3A_498 = vector.shape_cast %broadcast_in_dim3A_497 : vector<256x1xi32> to vector<1x256x1xi32>
      %eq3A_499 = vector.broadcast %broadcast_in_dim3A_498 : vector<1x256x1xi32> to vector<8x256x128xi32>
      %eq3A_500 = arith.cmpi eq, %stack3A_482, %eq3A_499 : vector<8x256x128xi32>
      %and3A = arith.andi %eq3A_489, %eq3A_500 : vector<8x256x128xi1>
      %jit3A_501 = arith.constant 0x7F800000 : f32
      %broadcast_in_dim3A_502 = vector.broadcast %jit3A_501 : f32 to vector<8x256x128xf32>
      %select_n3A_503 = arith.select %and3A, %broadcast_in_dim3A_502, %stack3A_433 : vector<8x256x128xi1>, vector<8x256x128xf32>
      %reduce_min3A_504 = arith.constant dense<0x7F800000> : vector<256x128xf32>
      %reduce_min3A_505 = vector.multi_reduction <minimumf>, %select_n3A_503, %reduce_min3A_504 [0] : vector<8x256x128xf32> to vector<256x128xf32>
      %reduce_min3A_506 = arith.constant dense<0x7F800000> : vector<256xf32>
      %reduce_min3A_507 = vector.multi_reduction <minimumf>, %reduce_min3A_505, %reduce_min3A_506 [1] : vector<256x128xf32> to vector<256xf32>
      %broadcast_in_dim3A_508 = vector.shape_cast %reduce_min3A_507 : vector<256xf32> to vector<256x1xf32>
      %broadcast_in_dim3A_509 = vector.shape_cast %broadcast_in_dim3A_508 : vector<256x1xf32> to vector<1x256x1xf32>
      %eq3A_510 = vector.broadcast %broadcast_in_dim3A_509 : vector<1x256x1xf32> to vector<8x256x128xf32>
      %eq3A_511 = arith.cmpf oeq, %select_n3A_503, %eq3A_510 : vector<8x256x128xf32>
      %jit3A_512 = arith.constant 1073741824 : i32
      %broadcast_in_dim3A_513 = vector.broadcast %jit3A_512 : i32 to vector<8x256x128xi32>
      %select_n3A_514 = arith.select %eq3A_511, %stack3A_482, %broadcast_in_dim3A_513 : vector<8x256x128xi1>, vector<8x256x128xi32>
      %reduce_min3A_515 = arith.constant dense<2147483647> : vector<256x128xi32>
      %reduce_min3A_516 = vector.multi_reduction <minsi>, %select_n3A_514, %reduce_min3A_515 [0] : vector<8x256x128xi32> to vector<256x128xi32>
      %reduce_min3A_517 = arith.constant dense<2147483647> : vector<256xi32>
      %reduce_min3A_518 = vector.multi_reduction <minsi>, %reduce_min3A_516, %reduce_min3A_517 [1] : vector<256x128xi32> to vector<256xi32>
      %broadcast_in_dim3A_519 = vector.shape_cast %reduce_min3A_518 : vector<256xi32> to vector<256x1xi32>
      %broadcast_in_dim3A_520 = vector.shape_cast %broadcast_in_dim3A_519 : vector<256x1xi32> to vector<1x256x1xi32>
      %eq3A_521 = vector.broadcast %broadcast_in_dim3A_520 : vector<1x256x1xi32> to vector<8x256x128xi32>
      %eq3A_522 = arith.cmpi eq, %stack3A_482, %eq3A_521 : vector<8x256x128xi32>
      %and3A_523 = arith.andi %eq3A_511, %eq3A_522 : vector<8x256x128xi1>
      %jit3A_524 = arith.constant 0x7F800000 : f32
      %broadcast_in_dim3A_525 = vector.broadcast %jit3A_524 : f32 to vector<8x256x128xf32>
      %select_n3A_526 = arith.select %and3A_523, %broadcast_in_dim3A_525, %select_n3A_503 : vector<8x256x128xi1>, vector<8x256x128xf32>
      %reduce_min3A_527 = arith.constant dense<0x7F800000> : vector<256x128xf32>
      %reduce_min3A_528 = vector.multi_reduction <minimumf>, %select_n3A_526, %reduce_min3A_527 [0] : vector<8x256x128xf32> to vector<256x128xf32>
      %reduce_min3A_529 = arith.constant dense<0x7F800000> : vector<256xf32>
      %reduce_min3A_530 = vector.multi_reduction <minimumf>, %reduce_min3A_528, %reduce_min3A_529 [1] : vector<256x128xf32> to vector<256xf32>
      %broadcast_in_dim3A_531 = vector.shape_cast %reduce_min3A_530 : vector<256xf32> to vector<256x1xf32>
      %broadcast_in_dim3A_532 = vector.shape_cast %broadcast_in_dim3A_531 : vector<256x1xf32> to vector<1x256x1xf32>
      %eq3A_533 = vector.broadcast %broadcast_in_dim3A_532 : vector<1x256x1xf32> to vector<8x256x128xf32>
      %eq3A_534 = arith.cmpf oeq, %select_n3A_526, %eq3A_533 : vector<8x256x128xf32>
      %jit3A_535 = arith.constant 1073741824 : i32
      %broadcast_in_dim3A_536 = vector.broadcast %jit3A_535 : i32 to vector<8x256x128xi32>
      %select_n3A_537 = arith.select %eq3A_534, %stack3A_482, %broadcast_in_dim3A_536 : vector<8x256x128xi1>, vector<8x256x128xi32>
      %reduce_min3A_538 = arith.constant dense<2147483647> : vector<256x128xi32>
      %reduce_min3A_539 = vector.multi_reduction <minsi>, %select_n3A_537, %reduce_min3A_538 [0] : vector<8x256x128xi32> to vector<256x128xi32>
      %reduce_min3A_540 = arith.constant dense<2147483647> : vector<256xi32>
      %reduce_min3A_541 = vector.multi_reduction <minsi>, %reduce_min3A_539, %reduce_min3A_540 [1] : vector<256x128xi32> to vector<256xi32>
      %broadcast_in_dim3A_542 = vector.shape_cast %reduce_min3A_541 : vector<256xi32> to vector<256x1xi32>
      %broadcast_in_dim3A_543 = vector.shape_cast %broadcast_in_dim3A_542 : vector<256x1xi32> to vector<1x256x1xi32>
      %eq3A_544 = vector.broadcast %broadcast_in_dim3A_543 : vector<1x256x1xi32> to vector<8x256x128xi32>
      %eq3A_545 = arith.cmpi eq, %stack3A_482, %eq3A_544 : vector<8x256x128xi32>
      %and3A_546 = arith.andi %eq3A_534, %eq3A_545 : vector<8x256x128xi1>
      %jit3A_547 = arith.constant 0x7F800000 : f32
      %broadcast_in_dim3A_548 = vector.broadcast %jit3A_547 : f32 to vector<8x256x128xf32>
      %select_n3A_549 = arith.select %and3A_546, %broadcast_in_dim3A_548, %select_n3A_526 : vector<8x256x128xi1>, vector<8x256x128xf32>
      %reduce_min3A_550 = arith.constant dense<0x7F800000> : vector<256x128xf32>
      %reduce_min3A_551 = vector.multi_reduction <minimumf>, %select_n3A_549, %reduce_min3A_550 [0] : vector<8x256x128xf32> to vector<256x128xf32>
      %reduce_min3A_552 = arith.constant dense<0x7F800000> : vector<256xf32>
      %reduce_min3A_553 = vector.multi_reduction <minimumf>, %reduce_min3A_551, %reduce_min3A_552 [1] : vector<256x128xf32> to vector<256xf32>
      %broadcast_in_dim3A_554 = vector.shape_cast %reduce_min3A_553 : vector<256xf32> to vector<256x1xf32>
      %broadcast_in_dim3A_555 = vector.shape_cast %broadcast_in_dim3A_554 : vector<256x1xf32> to vector<1x256x1xf32>
      %eq3A_556 = vector.broadcast %broadcast_in_dim3A_555 : vector<1x256x1xf32> to vector<8x256x128xf32>
      %eq3A_557 = arith.cmpf oeq, %select_n3A_549, %eq3A_556 : vector<8x256x128xf32>
      %jit3A_558 = arith.constant 1073741824 : i32
      %broadcast_in_dim3A_559 = vector.broadcast %jit3A_558 : i32 to vector<8x256x128xi32>
      %select_n3A_560 = arith.select %eq3A_557, %stack3A_482, %broadcast_in_dim3A_559 : vector<8x256x128xi1>, vector<8x256x128xi32>
      %reduce_min3A_561 = arith.constant dense<2147483647> : vector<256x128xi32>
      %reduce_min3A_562 = vector.multi_reduction <minsi>, %select_n3A_560, %reduce_min3A_561 [0] : vector<8x256x128xi32> to vector<256x128xi32>
      %reduce_min3A_563 = arith.constant dense<2147483647> : vector<256xi32>
      %reduce_min3A_564 = vector.multi_reduction <minsi>, %reduce_min3A_562, %reduce_min3A_563 [1] : vector<256x128xi32> to vector<256xi32>
      %broadcast_in_dim3A_565 = vector.shape_cast %reduce_min3A_564 : vector<256xi32> to vector<256x1xi32>
      %broadcast_in_dim3A_566 = vector.shape_cast %broadcast_in_dim3A_565 : vector<256x1xi32> to vector<1x256x1xi32>
      %eq3A_567 = vector.broadcast %broadcast_in_dim3A_566 : vector<1x256x1xi32> to vector<8x256x128xi32>
      %eq3A_568 = arith.cmpi eq, %stack3A_482, %eq3A_567 : vector<8x256x128xi32>
      %and3A_569 = arith.andi %eq3A_557, %eq3A_568 : vector<8x256x128xi1>
      %jit3A_570 = arith.constant 0x7F800000 : f32
      %broadcast_in_dim3A_571 = vector.broadcast %jit3A_570 : f32 to vector<8x256x128xf32>
      %select_n3A_572 = arith.select %and3A_569, %broadcast_in_dim3A_571, %select_n3A_549 : vector<8x256x128xi1>, vector<8x256x128xf32>
      %reduce_min3A_573 = arith.constant dense<0x7F800000> : vector<256x128xf32>
      %reduce_min3A_574 = vector.multi_reduction <minimumf>, %select_n3A_572, %reduce_min3A_573 [0] : vector<8x256x128xf32> to vector<256x128xf32>
      %reduce_min3A_575 = arith.constant dense<0x7F800000> : vector<256xf32>
      %reduce_min3A_576 = vector.multi_reduction <minimumf>, %reduce_min3A_574, %reduce_min3A_575 [1] : vector<256x128xf32> to vector<256xf32>
      %broadcast_in_dim3A_577 = vector.shape_cast %reduce_min3A_576 : vector<256xf32> to vector<256x1xf32>
      %broadcast_in_dim3A_578 = vector.shape_cast %broadcast_in_dim3A_577 : vector<256x1xf32> to vector<1x256x1xf32>
      %eq3A_579 = vector.broadcast %broadcast_in_dim3A_578 : vector<1x256x1xf32> to vector<8x256x128xf32>
      %eq3A_580 = arith.cmpf oeq, %select_n3A_572, %eq3A_579 : vector<8x256x128xf32>
      %jit3A_581 = arith.constant 1073741824 : i32
      %broadcast_in_dim3A_582 = vector.broadcast %jit3A_581 : i32 to vector<8x256x128xi32>
      %select_n3A_583 = arith.select %eq3A_580, %stack3A_482, %broadcast_in_dim3A_582 : vector<8x256x128xi1>, vector<8x256x128xi32>
      %reduce_min3A_584 = arith.constant dense<2147483647> : vector<256x128xi32>
      %reduce_min3A_585 = vector.multi_reduction <minsi>, %select_n3A_583, %reduce_min3A_584 [0] : vector<8x256x128xi32> to vector<256x128xi32>
      %reduce_min3A_586 = arith.constant dense<2147483647> : vector<256xi32>
      %reduce_min3A_587 = vector.multi_reduction <minsi>, %reduce_min3A_585, %reduce_min3A_586 [1] : vector<256x128xi32> to vector<256xi32>
      %broadcast_in_dim3A_588 = vector.shape_cast %reduce_min3A_587 : vector<256xi32> to vector<256x1xi32>
      %broadcast_in_dim3A_589 = vector.shape_cast %broadcast_in_dim3A_588 : vector<256x1xi32> to vector<1x256x1xi32>
      %eq3A_590 = vector.broadcast %broadcast_in_dim3A_589 : vector<1x256x1xi32> to vector<8x256x128xi32>
      %eq3A_591 = arith.cmpi eq, %stack3A_482, %eq3A_590 : vector<8x256x128xi32>
      %and3A_592 = arith.andi %eq3A_580, %eq3A_591 : vector<8x256x128xi1>
      %jit3A_593 = arith.constant 0x7F800000 : f32
      %broadcast_in_dim3A_594 = vector.broadcast %jit3A_593 : f32 to vector<8x256x128xf32>
      %select_n3A_595 = arith.select %and3A_592, %broadcast_in_dim3A_594, %select_n3A_572 : vector<8x256x128xi1>, vector<8x256x128xf32>
      %reduce_min3A_596 = arith.constant dense<0x7F800000> : vector<256x128xf32>
      %reduce_min3A_597 = vector.multi_reduction <minimumf>, %select_n3A_595, %reduce_min3A_596 [0] : vector<8x256x128xf32> to vector<256x128xf32>
      %reduce_min3A_598 = arith.constant dense<0x7F800000> : vector<256xf32>
      %reduce_min3A_599 = vector.multi_reduction <minimumf>, %reduce_min3A_597, %reduce_min3A_598 [1] : vector<256x128xf32> to vector<256xf32>
      %broadcast_in_dim3A_600 = vector.shape_cast %reduce_min3A_599 : vector<256xf32> to vector<256x1xf32>
      %broadcast_in_dim3A_601 = vector.shape_cast %broadcast_in_dim3A_600 : vector<256x1xf32> to vector<1x256x1xf32>
      %eq3A_602 = vector.broadcast %broadcast_in_dim3A_601 : vector<1x256x1xf32> to vector<8x256x128xf32>
      %eq3A_603 = arith.cmpf oeq, %select_n3A_595, %eq3A_602 : vector<8x256x128xf32>
      %jit3A_604 = arith.constant 1073741824 : i32
      %broadcast_in_dim3A_605 = vector.broadcast %jit3A_604 : i32 to vector<8x256x128xi32>
      %select_n3A_606 = arith.select %eq3A_603, %stack3A_482, %broadcast_in_dim3A_605 : vector<8x256x128xi1>, vector<8x256x128xi32>
      %reduce_min3A_607 = arith.constant dense<2147483647> : vector<256x128xi32>
      %reduce_min3A_608 = vector.multi_reduction <minsi>, %select_n3A_606, %reduce_min3A_607 [0] : vector<8x256x128xi32> to vector<256x128xi32>
      %reduce_min3A_609 = arith.constant dense<2147483647> : vector<256xi32>
      %reduce_min3A_610 = vector.multi_reduction <minsi>, %reduce_min3A_608, %reduce_min3A_609 [1] : vector<256x128xi32> to vector<256xi32>
      %broadcast_in_dim3A_611 = vector.shape_cast %reduce_min3A_610 : vector<256xi32> to vector<256x1xi32>
      %broadcast_in_dim3A_612 = vector.shape_cast %broadcast_in_dim3A_611 : vector<256x1xi32> to vector<1x256x1xi32>
      %eq3A_613 = vector.broadcast %broadcast_in_dim3A_612 : vector<1x256x1xi32> to vector<8x256x128xi32>
      %eq3A_614 = arith.cmpi eq, %stack3A_482, %eq3A_613 : vector<8x256x128xi32>
      %and3A_615 = arith.andi %eq3A_603, %eq3A_614 : vector<8x256x128xi1>
      %jit3A_616 = arith.constant 0x7F800000 : f32
      %broadcast_in_dim3A_617 = vector.broadcast %jit3A_616 : f32 to vector<8x256x128xf32>
      %select_n3A_618 = arith.select %and3A_615, %broadcast_in_dim3A_617, %select_n3A_595 : vector<8x256x128xi1>, vector<8x256x128xf32>
      %reduce_min3A_619 = arith.constant dense<0x7F800000> : vector<256x128xf32>
      %reduce_min3A_620 = vector.multi_reduction <minimumf>, %select_n3A_618, %reduce_min3A_619 [0] : vector<8x256x128xf32> to vector<256x128xf32>
      %reduce_min3A_621 = arith.constant dense<0x7F800000> : vector<256xf32>
      %reduce_min3A_622 = vector.multi_reduction <minimumf>, %reduce_min3A_620, %reduce_min3A_621 [1] : vector<256x128xf32> to vector<256xf32>
      %broadcast_in_dim3A_623 = vector.shape_cast %reduce_min3A_622 : vector<256xf32> to vector<256x1xf32>
      %broadcast_in_dim3A_624 = vector.shape_cast %broadcast_in_dim3A_623 : vector<256x1xf32> to vector<1x256x1xf32>
      %eq3A_625 = vector.broadcast %broadcast_in_dim3A_624 : vector<1x256x1xf32> to vector<8x256x128xf32>
      %eq3A_626 = arith.cmpf oeq, %select_n3A_618, %eq3A_625 : vector<8x256x128xf32>
      %jit3A_627 = arith.constant 1073741824 : i32
      %broadcast_in_dim3A_628 = vector.broadcast %jit3A_627 : i32 to vector<8x256x128xi32>
      %select_n3A_629 = arith.select %eq3A_626, %stack3A_482, %broadcast_in_dim3A_628 : vector<8x256x128xi1>, vector<8x256x128xi32>
      %reduce_min3A_630 = arith.constant dense<2147483647> : vector<256x128xi32>
      %reduce_min3A_631 = vector.multi_reduction <minsi>, %select_n3A_629, %reduce_min3A_630 [0] : vector<8x256x128xi32> to vector<256x128xi32>
      %reduce_min3A_632 = arith.constant dense<2147483647> : vector<256xi32>
      %reduce_min3A_633 = vector.multi_reduction <minsi>, %reduce_min3A_631, %reduce_min3A_632 [1] : vector<256x128xi32> to vector<256xi32>
      %broadcast_in_dim3A_634 = vector.shape_cast %reduce_min3A_633 : vector<256xi32> to vector<256x1xi32>
      %broadcast_in_dim3A_635 = vector.shape_cast %broadcast_in_dim3A_634 : vector<256x1xi32> to vector<1x256x1xi32>
      %eq3A_636 = vector.broadcast %broadcast_in_dim3A_635 : vector<1x256x1xi32> to vector<8x256x128xi32>
      %eq3A_637 = arith.cmpi eq, %stack3A_482, %eq3A_636 : vector<8x256x128xi32>
      %and3A_638 = arith.andi %eq3A_626, %eq3A_637 : vector<8x256x128xi1>
      %jit3A_639 = arith.constant 0x7F800000 : f32
      %broadcast_in_dim3A_640 = vector.broadcast %jit3A_639 : f32 to vector<8x256x128xf32>
      %select_n3A_641 = arith.select %and3A_638, %broadcast_in_dim3A_640, %select_n3A_618 : vector<8x256x128xi1>, vector<8x256x128xf32>
      %reduce_min3A_642 = arith.constant dense<0x7F800000> : vector<256x128xf32>
      %reduce_min3A_643 = vector.multi_reduction <minimumf>, %select_n3A_641, %reduce_min3A_642 [0] : vector<8x256x128xf32> to vector<256x128xf32>
      %reduce_min3A_644 = arith.constant dense<0x7F800000> : vector<256xf32>
      %reduce_min3A_645 = vector.multi_reduction <minimumf>, %reduce_min3A_643, %reduce_min3A_644 [1] : vector<256x128xf32> to vector<256xf32>
      %broadcast_in_dim3A_646 = vector.shape_cast %reduce_min3A_645 : vector<256xf32> to vector<256x1xf32>
      %broadcast_in_dim3A_647 = vector.shape_cast %broadcast_in_dim3A_646 : vector<256x1xf32> to vector<1x256x1xf32>
      %eq3A_648 = vector.broadcast %broadcast_in_dim3A_647 : vector<1x256x1xf32> to vector<8x256x128xf32>
      %eq3A_649 = arith.cmpf oeq, %select_n3A_641, %eq3A_648 : vector<8x256x128xf32>
      %jit3A_650 = arith.constant 1073741824 : i32
      %broadcast_in_dim3A_651 = vector.broadcast %jit3A_650 : i32 to vector<8x256x128xi32>
      %select_n3A_652 = arith.select %eq3A_649, %stack3A_482, %broadcast_in_dim3A_651 : vector<8x256x128xi1>, vector<8x256x128xi32>
      %reduce_min3A_653 = arith.constant dense<2147483647> : vector<256x128xi32>
      %reduce_min3A_654 = vector.multi_reduction <minsi>, %select_n3A_652, %reduce_min3A_653 [0] : vector<8x256x128xi32> to vector<256x128xi32>
      %reduce_min3A_655 = arith.constant dense<2147483647> : vector<256xi32>
      %reduce_min3A_656 = vector.multi_reduction <minsi>, %reduce_min3A_654, %reduce_min3A_655 [1] : vector<256x128xi32> to vector<256xi32>
      %broadcast_in_dim3A_657 = vector.shape_cast %reduce_min3A_656 : vector<256xi32> to vector<256x1xi32>
      %concatenate3A = tpu.concatenate %broadcast_in_dim3A_486, %broadcast_in_dim3A_508, %broadcast_in_dim3A_531, %broadcast_in_dim3A_554, %broadcast_in_dim3A_577, %broadcast_in_dim3A_600, %broadcast_in_dim3A_623, %broadcast_in_dim3A_646 in 1 : vector<256x1xf32>, vector<256x1xf32>, vector<256x1xf32>, vector<256x1xf32>, vector<256x1xf32>, vector<256x1xf32>, vector<256x1xf32>, vector<256x1xf32> -> vector<256x8xf32>
      %concatenate3A_658 = tpu.concatenate %broadcast_in_dim3A_497, %broadcast_in_dim3A_519, %broadcast_in_dim3A_542, %broadcast_in_dim3A_565, %broadcast_in_dim3A_588, %broadcast_in_dim3A_611, %broadcast_in_dim3A_634, %broadcast_in_dim3A_657 in 1 : vector<256x1xi32>, vector<256x1xi32>, vector<256x1xi32>, vector<256x1xi32>, vector<256x1xi32>, vector<256x1xi32>, vector<256x1xi32>, vector<256x1xi32> -> vector<256x8xi32>
      %slice3A_659 = vector.extract_strided_slice %concatenate3A {offsets = [0, 0], sizes = [256, 1], strides = [1, 1]} : vector<256x8xf32> to vector<256x1xf32>
      %sub3A_660 = vector.broadcast %slice3A_659 : vector<256x1xf32> to vector<256x8xf32>
      %sub3A_661 = arith.subf %concatenate3A, %sub3A_660 : vector<256x8xf32>
      %neg3A = arith.constant 0.000000e+00 : f32
      %neg3A_662 = vector.broadcast %neg3A : f32 to vector<256x8xf32>
      %neg3A_663 = arith.subf %neg3A_662, %sub3A_661 : vector<256x8xf32>
      %exp3A = math.exp %neg3A_663 : vector<256x8xf32>
      %reduce_sum3A = arith.constant dense<0.000000e+00> : vector<256xf32>
      %reduce_sum3A_664 = vector.multi_reduction <add>, %exp3A, %reduce_sum3A [1] : vector<256x8xf32> to vector<256xf32>
      %broadcast_in_dim3A_665 = vector.shape_cast %reduce_sum3A_664 : vector<256xf32> to vector<256x1xf32>
      %div3A = vector.broadcast %broadcast_in_dim3A_665 : vector<256x1xf32> to vector<256x8xf32>
      %div3A_666 = arith.divf %exp3A, %div3A : vector<256x8xf32>
      %swap3A_667 = arith.constant 0 : index
      %swap3A_668 = arith.constant 0 : index
      %swap3A_669 = vector.load %arg8[%swap3A_667, %swap3A_668] : memref<256x8xi32, #tpu.memory_space<vmem>>, vector<256x8xi32>
      tpu.vector_store %arg8[%swap3A_667, %swap3A_668], %concatenate3A_658 {strides = array<i32>} : memref<256x8xi32, #tpu.memory_space<vmem>>, vector<256x8xi32>,
      %swap3A_670 = arith.constant 0 : index
      %swap3A_671 = arith.constant 0 : index
      %swap3A_672 = vector.load %arg9[%swap3A_670, %swap3A_671] : memref<256x8xf32, #tpu.memory_space<vmem>>, vector<256x8xf32>
      tpu.vector_store %arg9[%swap3A_670, %swap3A_671], %div3A_666 {strides = array<i32>} : memref<256x8xf32, #tpu.memory_space<vmem>>, vector<256x8xf32>,
    } else {
    }
    return
  }
  func.func @transform_0(%arg0: i32, %arg1: i32) -> (i32, i32) {
    %c0_i32 = arith.constant 0 : i32
    %c0_i32_0 = arith.constant 0 : i32
    return %arg0, %c0_i32 : i32, i32
  }
  func.func @transform_1(%arg0: i32, %arg1: i32) -> (i32, i32) {
    %c0_i32 = arith.constant 0 : i32
    %c0_i32_0 = arith.constant 0 : i32
    return %arg0, %c0_i32 : i32, i32
  }
  func.func @transform_2(%arg0: i32, %arg1: i32) -> (i32, i32) {
    %c0_i32 = arith.constant 0 : i32
    %c0_i32_0 = arith.constant 0 : i32
    return %c0_i32, %arg1 : i32, i32
  }
  func.func @transform_3(%arg0: i32, %arg1: i32) -> (i32, i32) {
    %c0_i32 = arith.constant 0 : i32
    %c0_i32_0 = arith.constant 0 : i32
    return %c0_i32, %arg1 : i32, i32
  }
  func.func @transform_4(%arg0: i32, %arg1: i32) -> (i32, i32) {
    %c0_i32 = arith.constant 0 : i32
    %c0_i32_0 = arith.constant 0 : i32
    return %arg0, %c0_i32 : i32, i32
  }
  func.func @transform_5(%arg0: i32, %arg1: i32) -> (i32, i32) {
    %c0_i32 = arith.constant 0 : i32
    %c0_i32_0 = arith.constant 0 : i32
    return %arg1, %c0_i32 : i32, i32
  }
  func.func @transform_6(%arg0: i32, %arg1: i32) -> (i32, i32) {
    %c0_i32 = arith.constant 0 : i32
    %c0_i32_0 = arith.constant 0 : i32
    return %arg0, %c0_i32 : i32, i32
  }
  func.func @transform_7(%arg0: i32, %arg1: i32) -> (i32, i32) {
    %c0_i32 = arith.constant 0 : i32
    %c0_i32_0 = arith.constant 0 : i32
    return %arg0, %c0_i32 : i32, i32
  }
}

module attributes {stable_mosaic.version = 14 : i64} {
  func.func @_combine_body(%arg0: i32, %arg1: memref<256x8x256xf32, #tpu.memory_space<vmem>>, %arg2: memref<256x8xf32, #tpu.memory_space<vmem>>, %arg3: memref<256x256xf32, #tpu.memory_space<vmem>>) attributes {dimension_semantics = [#tpu.dimension_semantics<arbitrary>], iteration_bounds = array<i64: 4>, scalar_prefetch = 0 : i64, scratch_operands = 0 : i64, tpu.core_type = #tpu.core_type<tc>, window_params = [{transform_indices = @transform_0, window_bounds = array<i64: 256, 8, 256>}, {transform_indices = @transform_1, window_bounds = array<i64: 256, 8>}, {transform_indices = @transform_2, window_bounds = array<i64: 256, 256>}]} {
    %get3A = arith.constant 0 : index
    %get3A_0 = arith.constant 0 : index
    %get3A_1 = arith.constant 0 : index
    %get3A_2 = vector.load %arg1[%get3A, %get3A_0, %get3A_1] : memref<256x8x256xf32, #tpu.memory_space<vmem>>, vector<256x8x256xf32>
    %get3A_3 = arith.constant 0 : index
    %get3A_4 = arith.constant 0 : index
    %get3A_5 = vector.load %arg2[%get3A_3, %get3A_4] : memref<256x8xf32, #tpu.memory_space<vmem>>, vector<256x8xf32>
    %broadcast_in_dim3A = vector.shape_cast %get3A_5 : vector<256x8xf32> to vector<256x8x1xf32>
    %mul3A = vector.broadcast %broadcast_in_dim3A : vector<256x8x1xf32> to vector<256x8x256xf32>
    %mul3A_6 = arith.mulf %mul3A, %get3A_2 : vector<256x8x256xf32>
    %reduce_sum3A = arith.constant dense<0.000000e+00> : vector<256x256xf32>
    %reduce_sum3A_7 = vector.multi_reduction <add>, %mul3A_6, %reduce_sum3A [1] : vector<256x8x256xf32> to vector<256x256xf32>
    %swap3A = arith.constant 0 : index
    %swap3A_8 = arith.constant 0 : index
    %swap3A_9 = vector.load %arg3[%swap3A, %swap3A_8] : memref<256x256xf32, #tpu.memory_space<vmem>>, vector<256x256xf32>
    tpu.vector_store %arg3[%swap3A, %swap3A_8], %reduce_sum3A_7 {strides = array<i32>} : memref<256x256xf32, #tpu.memory_space<vmem>>, vector<256x256xf32>,
    return
  }
  func.func @transform_0(%arg0: i32) -> (i32, i32, i32) {
    %c0_i32 = arith.constant 0 : i32
    %c0_i32_0 = arith.constant 0 : i32
    %c0_i32_1 = arith.constant 0 : i32
    return %arg0, %c0_i32, %c0_i32_0 : i32, i32, i32
  }
  func.func @transform_1(%arg0: i32) -> (i32, i32) {
    %c0_i32 = arith.constant 0 : i32
    %c0_i32_0 = arith.constant 0 : i32
    return %arg0, %c0_i32 : i32, i32
  }
  func.func @transform_2(%arg0: i32) -> (i32, i32) {
    %c0_i32 = arith.constant 0 : i32
    %c0_i32_0 = arith.constant 0 : i32
    return %arg0, %c0_i32 : i32, i32
  }
}

</mosaic_0001>

<sc_bundles>
// kernel: kernel.5.cloned.1.call-start
scs
__scs_entry_jumppad:
0x0: {  	(pc) =	sbr.rel $0x88, $3  }
0x1: {  	(tag) =	ssettag $0x0;
	lr =	simm.s32 $0x1  }
0x2: {  	[smem:$0x3F9B] =	sst lr;
	_ =	strace $0xD0000000  }
0x3: {  	_ = 	snop  }
0x4: {  	_ = 	snop  }
0x5: {  	_ = 	snop  }
0x6: {  	_ = 	snop  }
0x7: {  	_ = 	snop  }
__scs_overlays_trampoline_lowered:
0x8: {  	[smem:$0x3FAA] =	sst s0  }
0x9: {  	[smem:$0x3FAB] =	sst s1  }
0xa: {  	[smem:$0x3FAC] =	sst s2  }
0xb: {  	[smem:$0x3FAD] =	sst s3  }
0xc: {  	[smem:$0x3FAE] =	sst s4  }
0xd: {  	[smem:$0x3FAF] =	sst s5  }
0xe: {  	[smem:$0x3FB0] =	sst s6  }
0xf: {  	[smem:$0x3FB1] =	sst s7  }
0x10: {  	[smem:$0x3FB2] =	sst s8  }
0x11: {  	[smem:$0x3FB3] =	sst s9;
	s0 =	simm.s32 @!p0 $0x0  }
0x12: {  	s1 =	sld [smem:$0x3F99];
	s0 =	simm.s32 @p0 $0x1  }
0x13: {  	[smem:$0x3FB4] =	sst s0;
	s0 =	simm.s32 @!p1 $0x0  }
0x14: {  	s2 =	sld [smem:$0x3F98];
	s0 =	simm.s32 @p1 $0x1  }
0x15: {  	[smem:$0x3FB5] =	sst s0;
	s0 =	simm.s32 @!p2 $0x0  }
0x16: {  	s3 =	sld [smem:$0x3FDB];
	s0 =	simm.s32 @p2 $0x1  }
0x17: {  	s4 =	simm.s32 $0x1BF5;
	[smem:$0x3FB7] =	sst s0  }
0x18: {  	s0 =	sld [smem:$0x3F9A];
	_ =	swait.ge [sflag:s4], $0x0  }
0x19: {  	s7 =	sld [smem:$0x3F9B]  }
0x1a: {  	s8 =	sadd.s32 $0xFFFFE003, lr  }
0x1b: {  	s9 =	sadd.s32 $0xFFFFFEF7, lr;
	s5 =	simm.s32 $0xFFFFFFFF;
	p2 =	slt.u32 s8, $0xFFFFF086  }
0x1c: {  	p1 =	slt.u32 s9, $0xF7A;
	s5 =	simm.s32 @!p2 $0x0  }
0x1d: {  	s5 =	simm.s32 @p1 $0x1;
	p0 =	seq.s32 s7, s2  }
0x1e: {  	s7 =	smul.u32 @!p0 $0xF7A, s2;
	p2 =	seq.s32 @!p0 s5, $0x0  }
0x1f: {  	s9 =	smul.u32 $0xF7A, s1;
	s8 =	simm.s32 @!p0 $0x1BF5;
	p2 =	por !p2, p0  }
0x20: {  	[sflag:s8] =	ssyncset.s32 @!p0 $0xFFFFF086;
	s6 =	sadd.s32 @!p0 s3, s7;
	s7 =	simm.s32 @!p0 $0x108  }
0x21: {  	s3 =	sadd.s32 s3, s9;
	s6 =	sadd.s32 @!p0 $0x88, s6;
	s7 =	simm.s32 @p2 $0x1082  }
0x22: {  	[simem:s7], [sflag:s8] =	dma.local @!p0 [hbm:s6], $0xF7A  }
0x23: {  	s9 =	sor.u32 $0xD0000000, s2;
	s6 =	simm.s32 $0x108;
	_ =	swait.ge @!p0 [sflag:s8], $0x0  }
0x24: {  	s3 =	sadd.s32 $0x88, s3;
	s6 =	simm.s32 @!p1 $0x1082;
	[sflag:s4] =	ssyncset.s32 $0xFFFFF086  }
0x25: {  	[simem:s6], [sflag:s4] =	dma.local [hbm:s3], $0xF7A  }
0x26: {  	[smem:$0x3F9B] =	sst s1;
	(tag) =	ssettag s2;
	_ =	strace s9  }
0x27: {  	s1 =	sld [smem:$0x3FAB]  }
0x28: {  	s2 =	sld [smem:$0x3FAC]  }
0x29: {  	s4 =	sld [smem:$0x3FAE]  }
0x2a: {  	p0 =	seq.s32 s5, $0x0;
	s5 =	sld [smem:$0x3FAF]  }
0x2b: {  	s6 =	sld [smem:$0x3FB0]  }
0x2c: {  	s7 =	sld [smem:$0x3FB1]  }
0x2d: {  	s3 =	simm.s32 $0x108;
	s8 =	sld [smem:$0x3FB2]  }
0x2e: {  	s3 =	simm.s32 @!p0 $0x1082;
	s9 =	sld [smem:$0x3FB3]  }
0x2f: {  	lr =	sadd.s32 s0, s3;
	s0 =	sld [smem:$0x3FAA]  }
0x30: {  	s3 =	sld [smem:$0x3FAD]  }
0x31: {  	[smem:$0x3FB6] =	sst s10  }
0x32: {  	s10 =	sld [smem:$0x3FB4];
	_ =	sdelay $0x3  }
0x33: {  	p0 =	seq.s32 s10, $0x1;
	s10 =	sld [smem:$0x3FB6];
	_ =	sdelay $0x3  }
0x34: {  	[smem:$0x3FB6] =	sst s10  }
0x35: {  	s10 =	sld [smem:$0x3FB5];
	_ =	sdelay $0x3  }
0x36: {  	p1 =	seq.s32 s10, $0x1;
	s10 =	sld [smem:$0x3FB6];
	_ =	sdelay $0x3  }
0x37: {  	[smem:$0x3FB6] =	sst s10  }
0x38: {  	s10 =	sld [smem:$0x3FB7]  }
0x39: {  	_ = 	snop;
	(pc) =	sbr.ind lr, $3  }
0x3a: {  	_ = 	snop  }
0x3b: {  	_ = 	snop  }
0x3c: {  	p2 =	seq.s32 s10, $0x1;
	s10 =	sld [smem:$0x3FB6]  }
0x3d: {  	_ =	shalt  }
0x3e: {  	_ =	shalt  }
0x3f: {  	_ =	shalt  }
0x40: {  	_ =	shalt  }
0x41: {  	_ =	shalt  }
0x42: {  	_ =	shalt  }
0x43: {  	_ =	shalt  }
0x44: {  	_ =	shalt  }
0x45: {  	_ =	shalt  }
0x46: {  	_ =	shalt  }
0x47: {  	_ =	shalt  }
0x48: {  	_ =	shalt  }
0x49: {  	_ =	shalt  }
0x4a: {  	_ =	shalt  }
0x4b: {  	_ =	shalt  }
0x4c: {  	_ =	shalt  }
0x4d: {  	_ =	shalt  }
0x4e: {  	_ =	shalt  }
0x4f: {  	_ =	shalt  }
0x50: {  	_ =	shalt  }
0x51: {  	_ =	shalt  }
0x52: {  	_ =	shalt  }
0x53: {  	_ =	shalt  }
0x54: {  	_ =	shalt  }
0x55: {  	_ =	shalt  }
0x56: {  	_ =	shalt  }
0x57: {  	_ =	shalt  }
0x58: {  	_ =	shalt  }
0x59: {  	_ =	shalt  }
0x5a: {  	_ =	shalt  }
0x5b: {  	_ =	shalt  }
0x5c: {  	_ =	shalt  }
0x5d: {  	_ =	shalt  }
0x5e: {  	_ =	shalt  }
0x5f: {  	_ =	shalt  }
0x60: {  	_ =	shalt  }
0x61: {  	_ =	shalt  }
0x62: {  	_ =	shalt  }
0x63: {  	_ =	shalt  }
0x64: {  	_ =	shalt  }
0x65: {  	_ =	shalt  }
0x66: {  	_ =	shalt  }
0x67: {  	_ =	shalt  }
0x68: {  	_ =	shalt  }
0x69: {  	_ =	shalt  }
0x6a: {  	_ =	shalt  }
0x6b: {  	_ =	shalt  }
0x6c: {  	_ =	shalt  }
0x6d: {  	_ =	shalt  }
0x6e: {  	_ =	shalt  }
0x6f: {  	_ =	shalt  }
0x70: {  	_ =	shalt  }
0x71: {  	_ =	shalt  }
0x72: {  	_ =	shalt  }
0x73: {  	_ =	shalt  }
0x74: {  	_ =	shalt  }
0x75: {  	_ =	shalt  }
0x76: {  	_ =	shalt  }
0x77: {  	_ =	shalt  }
0x78: {  	_ =	shalt  }
0x79: {  	_ =	shalt  }
0x7a: {  	_ =	shalt  }
0x7b: {  	_ =	shalt  }
0x7c: {  	_ =	shalt  }
0x7d: {  	_ =	shalt  }
0x7e: {  	_ =	shalt  }
0x7f: {  	_ =	shalt  }
0x80: {  	_ =	shalt  }
0x81: {  	_ =	shalt  }
0x82: {  	_ =	shalt  }
0x83: {  	_ =	shalt  }
0x84: {  	_ =	shalt  }
0x85: {  	_ =	shalt  }
0x86: {  	_ =	shalt  }
0x87: {  	_ =	shalt  }
.Lfunc_end0:
.L_simem_size_0:
called_computation_lowered:
.L_overlay_start_0:
0x88: {  	s2 =	sld [smem:$0x3FD9]  }
0x89: {  	s3 =	sld [smem:$0x3FFE];
	_ =	sdelay $0x1  }
0x8a: {  	s1 =	srdreg.scid  }
0x8b: {  	s0 =	sand.u32 $0x1, s1  }
0x8c: {  	s17 =	sshll.u32 s0, $0xA;
	s2 =	sadd.s32 s3, s2  }
0x8d: {  	s2 =	sadd.s32 s2, s17  }
0x8e: {  	[smem:$0x3FC2] =	sst s2  }
0x8f: {  	_ = 	snop  }
0x90: {  	s2 =	sld [smem:$0x3FC6]  }
0x91: {  	s18 =	sld [smem:$0x3FD0];
	(tm) =	ssettm $0x1  }
0x92: {  	s4 =	sld [smem:$0x3FFB];
	_ =	sdelay $0x3  }
0x93: {  	_ =	strace s4  }
0x94: {  	s4 =	sld [smem:$0x3FFC];
	_ =	sdelay $0x3  }
0x95: {  	_ =	strace s4  }
0x96: {  	s4 =	sld [smem:$0x3FFD];
	_ =	sdelay $0x3  }
0x97: {  	_ =	strace s4  }
0x98: {  	_ =	strace $0x8FFFFFFF  }
0x99: {  	s19 =	sld [smem:$0x3FDB];
	_ =	sdelay $0x1  }
0x9a: {  	s5 =	simm.s32 $_scs_section_size  }
0x9b: {  	s6 =	simm.s32 $_size__tile_overlayer_lowered;
	s7 =	simm.s32 $_tile_overlayer_lowered  }
0x9c: {  	s22 =	simm.s32 $0x1BFF;
	s21 =	sshll.u32 s7, $0x1;
	s4 =	sadd.s32 s5, s19  }
0x9d: {  	s8 =	simm.s32 $0x0;
	s20 =	sshll.u32 s6, $0x1;
	s6 =	sadd.s32 s21, s4  }
0x9e: {  	[timem:s8], [sflag:s22] =	dma.local [hbm:s6], s20  }
0x9f: {  	_ =	swait.ge [sflag:s22], s20  }
0xa0: {  	s5 =	ssub.s32 $0x0, s20;
	[sflag:s22] =	ssyncset.done $0x0  }
0xa1: {  	[sflag:s22] =	ssyncadd.s32 s5;
	_ =	sdelay $0x1  }
0xa2: {  	s23 =	simm.s32 $0x1B8B  }
0xa3: {  	_ =	swait.ge [sflag:s23], $0x1  }
0xa4: {  	[sflag:s23] =	ssyncset.done $0x0  }
0xa5: {  	s25 =	simm.s32 $0x1B8E;
	s24 =	sld [smem:$0x3FFE];
	[sflag:s23] =	ssyncadd.s32 $0xFFFFFFFF  }
0xa6: {  	s26 =	simm.s32 $execute0_lowered;
	[smem:$0x3FD2] =	sst s25  }
0xa7: {  	s6 =	sshll.u32 s26, $0x1;
	_ =	strace $0x80000046;
	[dreg:$0x1] =	wrdreg $0xFFFFFFFF  }
0xa8: {  	s28 =	simm.s32 $_size_execute0_lowered;
	s4 =	sadd.s32 s4, s6;
	[dreg:$0x0] =	wrdreg $0x0  }
0xa9: {  	s6 =	sshll.u32 s28, $0x1;
	[dreg:$0x2] =	wrdreg s4  }
0xaa: {  	[dreg:$0x3] =	wrdreg s6  }
0xab: {  	[dreg:$0x4] =	wrdreg $0xC0  }
0xac: {  	_ =	task [dreg:s8], $0x5FFFF  }
0xad: {  	[dreg:$0x1] =	wrdreg $0xFFFFFFFF  }
0xae: {  	[dreg:$0x0] =	wrdreg $0x60  }
0xaf: {  	[dreg:$0x2] =	wrdreg s2  }
0xb0: {  	[dreg:$0x3] =	wrdreg s18  }
0xb1: {  	[dreg:$0x4] =	wrdreg s24  }
0xb2: {  	[dreg:$0x5] =	wrdreg $0x9  }
0xb3: {  	_ =	task.clear_ibuf [dreg:s8], $0x6FFFF;
	_ =	strace $0x90000046  }
0xb4: {  	s29 =	simm.s32 $0x9;
	_ =	strace $0x80000048  }
0xb5: {  	_ =	swait.ge [sflag:s29], $0x1  }
0xb6: {  	[sflag:s29] =	ssyncadd.s32 $0xFFFFFFFF  }
0xb7: {  	_ =	strace $0x90000048  }
0xb8: {  	_ =	sfence  }
0xb9: {  	s30 =	sld [smem:$0x0];
	_ =	sdelay $0x2  }
0xba: {  	s31 =	sshll.u32 s1, $0xD;
	s1 =	sshrl.u32 s1, $0x2  }
0xbb: {  	s3 =	sand.u32 $0x4000, s31;
	s1 =	sadd.s32 s1, s30  }
0xbc: {  	s0 =	sor.u32 s3, s0;
	s1 =	sshll.u32 s1, $0x11  }
0xbd: {  	s0 =	sor.u32 s1, s0  }
0xbe: {  	s0 =	sadd.s32 $0x8F2B, s0  }
0xbf: {  	[sflag:s0] =	ssyncadd.remote.s32 $0x1  }
0xc0: {  	_ =	sfence.sel $0xFFFF  }
0xc1: {  	[dreg:$0x0] =	wrdreg $0xFFFFFFFF;
	(pc) =	sbr.abs _section_cstart, $3  }
0xc2: {  	[dreg:$0x1] =	wrdreg $0xFFFFFFFF  }
0xc3: {  	_ =	task.clear_ibuf [dreg:s8], $0x2FFFF;
	_ =	strace $0x9FFFFFFF  }
0xc4: {  	(tm) =	ssettm $0x7FFFFFFF  }
0xc5: {  	_ =	shalt  }
tec
execute0_lowered:
.L_overlay_start_1:
0x0: {  	(tag) =	ssettag $0x1  }
0x1: {  	s1 =	rddreg [dreg:$0x0]  }
0x2: {  	s2 =	srdreg.scid;
	s4 =	rddreg [dreg:$0x1]  }
0x3: {  	s0 =	stileid.u32;
	s5 =	rddreg [dreg:$0x2];
	s3 =	simm.s32 $0x0  }
0x4: {  	s19 =	simm.s32 $0x900;
	s20 =	simm.s32 $0x1100;
	s21 =	simm.s32 $0x1900  }
0x5: {  	s23 =	simm.s32 $0x2100;
	s24 =	simm.s32 $0x2900;
	s25 =	simm.s32 $0x3100  }
0x6: {  	s26 =	simm.s32 $0x3900;
	s8 =	simm.s32 $0x4900;
	s9 =	simm.s32 $0x5100  }
0x7: {  	s10 =	simm.s32 $0x5900;
	s11 =	simm.s32 $0x6100;
	s12 =	simm.s32 $0x6900  }
0x8: {  	s13 =	simm.s32 $0x7100;
	s14 =	simm.s32 $0x7900;
	[smem:$0x7FF] =	sst s3  }
0x9: {  	s15 =	simm.s32 $0x8100;
	_ =	strace $0x80000047;
	[dreg:$0x6] =	wrdreg s19  }
0xa: {  	s16 =	simm.s32 $0x8900;
	s17 =	simm.s32 $0x9100;
	[dreg:$0x7] =	wrdreg s20  }
0xb: {  	s28 =	simm.s32 $0xE100;
	s29 =	simm.s32 $0xE900;
	[dreg:$0x8] =	wrdreg s21  }
0xc: {  	s30 =	simm.s32 $0xF100;
	s31 =	simm.s32 $0xF900;
	[dreg:$0x9] =	wrdreg s23  }
0xd: {  	s2 =	sand.u32 $0x1, s2;
	s6 =	sshll.u32 s0, $0x9;
	[dreg:$0xa] =	wrdreg s24  }
0xe: {  	s7 =	sshll.u32 s2, $0x8;
	s2 =	ssub.s32 $0x2, s2;
	[dreg:$0xb] =	wrdreg s25  }
0xf: {  	[dreg:$0xc] =	wrdreg s26;
	s19 =	simm.s32 $0xA100;
	s20 =	simm.s32 $0xA900  }
0x10: {  	s21 =	simm.s32 $0xB100;
	s23 =	simm.s32 $0xC100;
	s24 =	simm.s32 $0xC900  }
0x11: {  	s25 =	simm.s32 $0xD100;
	s26 =	simm.s32 $0xD900;
	s6 =	sor.u32 s7, s6  }
0x12: {  	s22 =	sshrl.u32 s2, $0x1;
	s7 =	sshll.u32 s6, $0x5;
	s6 =	sshrl.u32 s6, $0x3  }
0x13: {  	s2 =	ssub.s32 s2, s22;
	s22 =	simm.s32 $0xB900;
	s4 =	sadd.s32 s4, s6  }
0x14: {  	v2 =	vlaneseq.u32;
	s5 =	sadd.s32 s7, s5;
	s6 =	simm.s32 $0x100;
	[dreg:$0x4] =	wrdreg s4  }
0x15: {  	vm0 =	vmmov $0xffff;
	v1 =	vshrl.u32 v2, $0x3;
	s18 =	sadd.s32 $0x600, s5;
	s4 =	smax.u32 s2, $0x1;
	s5 =	simm.s32 $0x2  }
0x16: {  	v0 =	vand.u32 $0x7, v2;
	v2 =	vor.u32 $0x8, v2;
	v1 =	vmul.u32 $0x8, v1;
	s2 =	simm.s32 $0x1;
	[dreg:$0x5] =	wrdreg s18;
	s18 =	simm.s32 $0x9900  }
.LBB2_1:
0x17: {  	s0 =	rddreg [dreg:$0x4]  }
0x18: {  	[tilespmem:s3], [sflag:$0x2] =	stream.linear.gather [hbm4b:s0+s3], $0x100, $0x38;
	[tilespmem:$0x10100] =	vst v63  }
0x19: {  	_ =	swait.ge [sflag:s5], $0x100  }
0x1a: {  	[sflag:s5] =	ssyncset.done $0x0  }
0x1b: {  	[sflag:s5] =	ssyncadd.s32 $0xFFFFFF00  }
0x1c: {  	v3 =	vld [tilespmem:$0x0];
	_ =	sdelay $0x4  }
0x1d: {  	v4 =	vshll.u32 v3, $0x1  }
0x1e: {  	v3 =	vand.u32 $0x7, v3;
	v4 =	vand.u32 $0xFFFFFFF0, v4  }
0x1f: {  	v3 =	vor.u32 v3, v4  }
0x20: {  	v4 =	vperm.xlane v3, v0;
	_ =	sdelay $0x1  }
0x21: {  	v3 =	vperm.xlane v3, v2;
	v4 =	vadd.s32 v1, v4;
	_ =	sdelay $0x1  }
0x22: {  	v3 =	vadd.s32 v1, v3;
	_ =	sdelay $0x2  }
0x23: {  	[tilespmem:s6], [sflag:$0x1] =	stream.indirect_vreg.gather [hbm4b:s1+s3], $0x80, v4, vm0, $0xb8;
	[tilespmem:$0x10100] =	vst v63  }
0x24: {  	s7 =	rddreg [dreg:$0x6]  }
0x25: {  	[tilespmem:s7], [sflag:$0x1] =	stream.indirect_vreg.gather [hbm4b:s1+s3], $0x80, v3, vm0, $0xb8;
	[tilespmem:$0x10100] =	vst v63  }
0x26: {  	v3 =	vld [tilespmem:$0x10];
	_ =	sdelay $0x4  }
0x27: {  	v49 =	vshll.u32 v3, $0x1  }
0x28: {  	v3 =	vand.u32 $0x7, v3;
	v4 =	vand.u32 $0xFFFFFFF0, v49  }
0x29: {  	v3 =	vor.u32 v3, v4  }
0x2a: {  	v4 =	vperm.xlane v3, v0;
	_ =	sdelay $0x1  }
0x2b: {  	v3 =	vperm.xlane v3, v2;
	v4 =	vadd.s32 v1, v4;
	_ =	sdelay $0x1  }
0x2c: {  	v3 =	vadd.s32 v1, v3;
	_ =	sdelay $0x1  }
0x2d: {  	s0 =	rddreg [dreg:$0x7]  }
0x2e: {  	[tilespmem:s0], [sflag:$0x1] =	stream.indirect_vreg.gather [hbm4b:s1+s3], $0x80, v4, vm0, $0xb8;
	[tilespmem:$0x10100] =	vst v63  }
0x2f: {  	s7 =	rddreg [dreg:$0x8]  }
0x30: {  	[tilespmem:s7], [sflag:$0x1] =	stream.indirect_vreg.gather [hbm4b:s1+s3], $0x80, v3, vm0, $0xb8;
	[tilespmem:$0x10100] =	vst v63  }
0x31: {  	v3 =	vld [tilespmem:$0x20];
	_ =	sdelay $0x4  }
0x32: {  	v50 =	vshll.u32 v3, $0x1  }
0x33: {  	v3 =	vand.u32 $0x7, v3;
	v4 =	vand.u32 $0xFFFFFFF0, v50  }
0x34: {  	v3 =	vor.u32 v3, v4  }
0x35: {  	v4 =	vperm.xlane v3, v0;
	_ =	sdelay $0x1  }
0x36: {  	v3 =	vperm.xlane v3, v2;
	v4 =	vadd.s32 v1, v4;
	_ =	sdelay $0x1  }
0x37: {  	v3 =	vadd.s32 v1, v3;
	_ =	sdelay $0x1  }
0x38: {  	s0 =	rddreg [dreg:$0x9]  }
0x39: {  	[tilespmem:s0], [sflag:$0x1] =	stream.indirect_vreg.gather [hbm4b:s1+s3], $0x80, v4, vm0, $0xb8;
	[tilespmem:$0x10100] =	vst v63  }
0x3a: {  	s7 =	rddreg [dreg:$0xa]  }
0x3b: {  	[tilespmem:s7], [sflag:$0x1] =	stream.indirect_vreg.gather [hbm4b:s1+s3], $0x80, v3, vm0, $0xb8;
	[tilespmem:$0x10100] =	vst v63  }
0x3c: {  	v3 =	vld [tilespmem:$0x30];
	_ =	sdelay $0x4  }
0x3d: {  	v51 =	vshll.u32 v3, $0x1  }
0x3e: {  	v3 =	vand.u32 $0x7, v3;
	v4 =	vand.u32 $0xFFFFFFF0, v51  }
0x3f: {  	v3 =	vor.u32 v3, v4  }
0x40: {  	v4 =	vperm.xlane v3, v0;
	_ =	sdelay $0x1  }
0x41: {  	v3 =	vperm.xlane v3, v2;
	v4 =	vadd.s32 v1, v4;
	_ =	sdelay $0x1  }
0x42: {  	v3 =	vadd.s32 v1, v3;
	_ =	sdelay $0x1  }
0x43: {  	s0 =	rddreg [dreg:$0xb]  }
0x44: {  	[tilespmem:s0], [sflag:$0x1] =	stream.indirect_vreg.gather [hbm4b:s1+s3], $0x80, v4, vm0, $0xb8;
	[tilespmem:$0x10100] =	vst v63  }
0x45: {  	s7 =	rddreg [dreg:$0xc]  }
0x46: {  	[tilespmem:s7], [sflag:$0x1] =	stream.indirect_vreg.gather [hbm4b:s1+s3], $0x80, v3, vm0, $0xb8;
	[tilespmem:$0x10100] =	vst v63  }
0x47: {  	v3 =	vld [tilespmem:$0x40];
	_ =	sdelay $0x4  }
0x48: {  	v52 =	vshll.u32 v3, $0x1  }
0x49: {  	v3 =	vand.u32 $0x7, v3;
	v4 =	vand.u32 $0xFFFFFFF0, v52  }
0x4a: {  	v3 =	vor.u32 v3, v4  }
0x4b: {  	v4 =	vperm.xlane v3, v0;
	_ =	sdelay $0x1  }
0x4c: {  	v3 =	vperm.xlane v3, v2;
	v4 =	vadd.s32 v1, v4;
	_ =	sdelay $0x1  }
0x4d: {  	v3 =	vadd.s32 v1, v3;
	_ =	sdelay $0x1  }
0x4e: {  	s7 =	simm.s32 $0x4100  }
0x4f: {  	[tilespmem:s7], [sflag:$0x1] =	stream.indirect_vreg.gather [hbm4b:s1+s3], $0x80, v4, vm0, $0xb8;
	[tilespmem:$0x10100] =	vst v63  }
0x50: {  	_ = 	snop  }
0x51: {  	[tilespmem:s8], [sflag:$0x1] =	stream.indirect_vreg.gather [hbm4b:s1+s3], $0x80, v3, vm0, $0xb8;
	[tilespmem:$0x10100] =	vst v63  }
0x52: {  	v3 =	vld [tilespmem:$0x50];
	_ =	sdelay $0x4  }
0x53: {  	v53 =	vshll.u32 v3, $0x1  }
0x54: {  	v3 =	vand.u32 $0x7, v3;
	v4 =	vand.u32 $0xFFFFFFF0, v53  }
0x55: {  	v3 =	vor.u32 v3, v4  }
0x56: {  	v4 =	vperm.xlane v3, v0;
	_ =	sdelay $0x1  }
0x57: {  	v3 =	vperm.xlane v3, v2;
	v4 =	vadd.s32 v1, v4;
	_ =	sdelay $0x1  }
0x58: {  	v3 =	vadd.s32 v1, v3;
	_ =	sdelay $0x2  }
0x59: {  	[tilespmem:s9], [sflag:$0x1] =	stream.indirect_vreg.gather [hbm4b:s1+s3], $0x80, v4, vm0, $0xb8;
	[tilespmem:$0x10100] =	vst v63  }
0x5a: {  	_ = 	snop  }
0x5b: {  	[tilespmem:s10], [sflag:$0x1] =	stream.indirect_vreg.gather [hbm4b:s1+s3], $0x80, v3, vm0, $0xb8;
	[tilespmem:$0x10100] =	vst v63  }
0x5c: {  	v3 =	vld [tilespmem:$0x60];
	_ =	sdelay $0x4  }
0x5d: {  	v54 =	vshll.u32 v3, $0x1  }
0x5e: {  	v3 =	vand.u32 $0x7, v3;
	v4 =	vand.u32 $0xFFFFFFF0, v54  }
0x5f: {  	v3 =	vor.u32 v3, v4  }
0x60: {  	v4 =	vperm.xlane v3, v0;
	_ =	sdelay $0x1  }
0x61: {  	v3 =	vperm.xlane v3, v2;
	v4 =	vadd.s32 v1, v4;
	_ =	sdelay $0x1  }
0x62: {  	v3 =	vadd.s32 v1, v3;
	_ =	sdelay $0x2  }
0x63: {  	[tilespmem:s11], [sflag:$0x1] =	stream.indirect_vreg.gather [hbm4b:s1+s3], $0x80, v4, vm0, $0xb8;
	[tilespmem:$0x10100] =	vst v63  }
0x64: {  	_ = 	snop  }
0x65: {  	[tilespmem:s12], [sflag:$0x1] =	stream.indirect_vreg.gather [hbm4b:s1+s3], $0x80, v3, vm0, $0xb8;
	[tilespmem:$0x10100] =	vst v63  }
0x66: {  	v3 =	vld [tilespmem:$0x70];
	_ =	sdelay $0x4  }
0x67: {  	v55 =	vshll.u32 v3, $0x1  }
0x68: {  	v3 =	vand.u32 $0x7, v3;
	v4 =	vand.u32 $0xFFFFFFF0, v55  }
0x69: {  	v3 =	vor.u32 v3, v4  }
0x6a: {  	v4 =	vperm.xlane v3, v0;
	_ =	sdelay $0x1  }
0x6b: {  	v3 =	vperm.xlane v3, v2;
	v4 =	vadd.s32 v1, v4;
	_ =	sdelay $0x1  }
0x6c: {  	v3 =	vadd.s32 v1, v3;
	_ =	sdelay $0x2  }
0x6d: {  	[tilespmem:s13], [sflag:$0x1] =	stream.indirect_vreg.gather [hbm4b:s1+s3], $0x80, v4, vm0, $0xb8;
	[tilespmem:$0x10100] =	vst v63  }
0x6e: {  	_ = 	snop  }
0x6f: {  	[tilespmem:s14], [sflag:$0x1] =	stream.indirect_vreg.gather [hbm4b:s1+s3], $0x80, v3, vm0, $0xb8;
	[tilespmem:$0x10100] =	vst v63  }
0x70: {  	v3 =	vld [tilespmem:$0x80];
	_ =	sdelay $0x4  }
0x71: {  	v56 =	vshll.u32 v3, $0x1  }
0x72: {  	v3 =	vand.u32 $0x7, v3;
	v4 =	vand.u32 $0xFFFFFFF0, v56  }
0x73: {  	v3 =	vor.u32 v3, v4  }
0x74: {  	v4 =	vperm.xlane v3, v0;
	_ =	sdelay $0x1  }
0x75: {  	v3 =	vperm.xlane v3, v2;
	v4 =	vadd.s32 v1, v4;
	_ =	sdelay $0x1  }
0x76: {  	v3 =	vadd.s32 v1, v3;
	_ =	sdelay $0x2  }
0x77: {  	[tilespmem:s15], [sflag:$0x1] =	stream.indirect_vreg.gather [hbm4b:s1+s3], $0x80, v4, vm0, $0xb8;
	[tilespmem:$0x10100] =	vst v63  }
0x78: {  	_ = 	snop  }
0x79: {  	[tilespmem:s16], [sflag:$0x1] =	stream.indirect_vreg.gather [hbm4b:s1+s3], $0x80, v3, vm0, $0xb8;
	[tilespmem:$0x10100] =	vst v63  }
0x7a: {  	v3 =	vld [tilespmem:$0x90];
	_ =	sdelay $0x4  }
0x7b: {  	v57 =	vshll.u32 v3, $0x1  }
0x7c: {  	v3 =	vand.u32 $0x7, v3;
	v4 =	vand.u32 $0xFFFFFFF0, v57  }
0x7d: {  	v3 =	vor.u32 v3, v4  }
0x7e: {  	v4 =	vperm.xlane v3, v0;
	_ =	sdelay $0x1  }
0x7f: {  	v3 =	vperm.xlane v3, v2;
	v4 =	vadd.s32 v1, v4;
	_ =	sdelay $0x1  }
0x80: {  	v3 =	vadd.s32 v1, v3;
	_ =	sdelay $0x2  }
0x81: {  	[tilespmem:s17], [sflag:$0x1] =	stream.indirect_vreg.gather [hbm4b:s1+s3], $0x80, v4, vm0, $0xb8;
	[tilespmem:$0x10100] =	vst v63  }
0x82: {  	_ = 	snop  }
0x83: {  	[tilespmem:s18], [sflag:$0x1] =	stream.indirect_vreg.gather [hbm4b:s1+s3], $0x80, v3, vm0, $0xb8;
	[tilespmem:$0x10100] =	vst v63  }
0x84: {  	v3 =	vld [tilespmem:$0xA0];
	_ =	sdelay $0x4  }
0x85: {  	v58 =	vshll.u32 v3, $0x1  }
0x86: {  	v3 =	vand.u32 $0x7, v3;
	v4 =	vand.u32 $0xFFFFFFF0, v58  }
0x87: {  	v3 =	vor.u32 v3, v4  }
0x88: {  	v4 =	vperm.xlane v3, v0;
	_ =	sdelay $0x1  }
0x89: {  	v3 =	vperm.xlane v3, v2;
	v4 =	vadd.s32 v1, v4;
	_ =	sdelay $0x1  }
0x8a: {  	v3 =	vadd.s32 v1, v3;
	_ =	sdelay $0x2  }
0x8b: {  	[tilespmem:s19], [sflag:$0x1] =	stream.indirect_vreg.gather [hbm4b:s1+s3], $0x80, v4, vm0, $0xb8;
	[tilespmem:$0x10100] =	vst v63  }
0x8c: {  	_ = 	snop  }
0x8d: {  	[tilespmem:s20], [sflag:$0x1] =	stream.indirect_vreg.gather [hbm4b:s1+s3], $0x80, v3, vm0, $0xb8;
	[tilespmem:$0x10100] =	vst v63  }
0x8e: {  	v3 =	vld [tilespmem:$0xB0];
	_ =	sdelay $0x4  }
0x8f: {  	v59 =	vshll.u32 v3, $0x1  }
0x90: {  	v3 =	vand.u32 $0x7, v3;
	v4 =	vand.u32 $0xFFFFFFF0, v59  }
0x91: {  	v3 =	vor.u32 v3, v4  }
0x92: {  	v4 =	vperm.xlane v3, v0;
	_ =	sdelay $0x1  }
0x93: {  	v3 =	vperm.xlane v3, v2;
	v4 =	vadd.s32 v1, v4;
	_ =	sdelay $0x1  }
0x94: {  	v3 =	vadd.s32 v1, v3;
	_ =	sdelay $0x2  }
0x95: {  	[tilespmem:s21], [sflag:$0x1] =	stream.indirect_vreg.gather [hbm4b:s1+s3], $0x80, v4, vm0, $0xb8;
	[tilespmem:$0x10100] =	vst v63  }
0x96: {  	_ = 	snop  }
0x97: {  	[tilespmem:s22], [sflag:$0x1] =	stream.indirect_vreg.gather [hbm4b:s1+s3], $0x80, v3, vm0, $0xb8;
	[tilespmem:$0x10100] =	vst v63  }
0x98: {  	v3 =	vld [tilespmem:$0xC0];
	_ =	sdelay $0x4  }
0x99: {  	v60 =	vshll.u32 v3, $0x1  }
0x9a: {  	v3 =	vand.u32 $0x7, v3;
	v4 =	vand.u32 $0xFFFFFFF0, v60  }
0x9b: {  	v3 =	vor.u32 v3, v4  }
0x9c: {  	v4 =	vperm.xlane v3, v0;
	_ =	sdelay $0x1  }
0x9d: {  	v3 =	vperm.xlane v3, v2;
	v4 =	vadd.s32 v1, v4;
	_ =	sdelay $0x1  }
0x9e: {  	v3 =	vadd.s32 v1, v3;
	_ =	sdelay $0x2  }
0x9f: {  	[tilespmem:s23], [sflag:$0x1] =	stream.indirect_vreg.gather [hbm4b:s1+s3], $0x80, v4, vm0, $0xb8;
	[tilespmem:$0x10100] =	vst v63  }
0xa0: {  	_ = 	snop  }
0xa1: {  	[tilespmem:s24], [sflag:$0x1] =	stream.indirect_vreg.gather [hbm4b:s1+s3], $0x80, v3, vm0, $0xb8;
	[tilespmem:$0x10100] =	vst v63  }
0xa2: {  	v3 =	vld [tilespmem:$0xD0];
	_ =	sdelay $0x4  }
0xa3: {  	v61 =	vshll.u32 v3, $0x1  }
0xa4: {  	v3 =	vand.u32 $0x7, v3;
	v4 =	vand.u32 $0xFFFFFFF0, v61  }
0xa5: {  	v3 =	vor.u32 v3, v4  }
0xa6: {  	v4 =	vperm.xlane v3, v0;
	_ =	sdelay $0x1  }
0xa7: {  	v3 =	vperm.xlane v3, v2;
	v4 =	vadd.s32 v1, v4;
	_ =	sdelay $0x1  }
0xa8: {  	v3 =	vadd.s32 v1, v3;
	_ =	sdelay $0x2  }
0xa9: {  	[tilespmem:s25], [sflag:$0x1] =	stream.indirect_vreg.gather [hbm4b:s1+s3], $0x80, v4, vm0, $0xb8;
	[tilespmem:$0x10100] =	vst v63  }
0xaa: {  	_ = 	snop  }
0xab: {  	[tilespmem:s26], [sflag:$0x1] =	stream.indirect_vreg.gather [hbm4b:s1+s3], $0x80, v3, vm0, $0xb8;
	[tilespmem:$0x10100] =	vst v63  }
0xac: {  	v3 =	vld [tilespmem:$0xE0];
	_ =	sdelay $0x4  }
0xad: {  	v62 =	vshll.u32 v3, $0x1  }
0xae: {  	v3 =	vand.u32 $0x7, v3;
	v4 =	vand.u32 $0xFFFFFFF0, v62  }
0xaf: {  	v3 =	vor.u32 v3, v4  }
0xb0: {  	v4 =	vperm.xlane v3, v0;
	_ =	sdelay $0x1  }
0xb1: {  	v3 =	vperm.xlane v3, v2;
	v4 =	vadd.s32 v1, v4;
	_ =	sdelay $0x1  }
0xb2: {  	v3 =	vadd.s32 v1, v3;
	_ =	sdelay $0x2  }
0xb3: {  	[tilespmem:s28], [sflag:$0x1] =	stream.indirect_vreg.gather [hbm4b:s1+s3], $0x80, v4, vm0, $0xb8;
	[tilespmem:$0x10100] =	vst v63  }
0xb4: {  	_ = 	snop  }
0xb5: {  	[tilespmem:s29], [sflag:$0x1] =	stream.indirect_vreg.gather [hbm4b:s1+s3], $0x80, v3, vm0, $0xb8;
	[tilespmem:$0x10100] =	vst v63  }
0xb6: {  	v3 =	vld [tilespmem:$0xF0];
	_ =	sdelay $0x4  }
0xb7: {  	v63 =	vshll.u32 v3, $0x1  }
0xb8: {  	v3 =	vand.u32 $0x7, v3;
	v4 =	vand.u32 $0xFFFFFFF0, v63  }
0xb9: {  	v3 =	vor.u32 v3, v4  }
0xba: {  	v4 =	vperm.xlane v3, v0;
	_ =	sdelay $0x1  }
0xbb: {  	v3 =	vperm.xlane v3, v2;
	v4 =	vadd.s32 v1, v4;
	_ =	sdelay $0x1  }
0xbc: {  	v3 =	vadd.s32 v1, v3;
	_ =	sdelay $0x2  }
0xbd: {  	[tilespmem:s30], [sflag:$0x1] =	stream.indirect_vreg.gather [hbm4b:s1+s3], $0x80, v4, vm0, $0xb8;
	[tilespmem:$0x10100] =	vst v63  }
0xbe: {  	_ = 	snop  }
0xbf: {  	[tilespmem:s31], [sflag:$0x1] =	stream.indirect_vreg.gather [hbm4b:s1+s3], $0x80, v3, vm0, $0xb8;
	[tilespmem:$0x10100] =	vst v63  }
0xc0: {  	_ =	swait.ge [sflag:s2], $0x10000  }
0xc1: {  	p0 =	sne.s32 s4, $0x1;
	[sflag:s2] =	ssyncset.done $0x0  }
.Ltmp0:
0xc2: {  	s7 =	rddreg [dreg:$0x5];
	[sflag:s2] =	ssyncadd.s32 $0xFFFF0000;
	(pc) =	sbr.rel @p0 .LBB2_1-.Ltmp0, $4  }
0xc3: {  	[hbm4b:s7+s3] =	stream.linear.scatter [tilespmem:s6], [sflag:$0x2], $0x10000, $0x38;
	[tilespmem:$0x10100] =	vst v63  }
0xc4: {  	_ =	swait.ge [sflag:s5], $0x10000  }
0xc5: {  	[sflag:s5] =	ssyncset.done $0x0  }
0xc6: {  	s4 =	sadd.s32 $0xFFFFFFFF, s4;
	[sflag:s5] =	ssyncadd.s32 $0xFFFF0000  }
0xc7: {  	_ =	sfence.sel $0x180000  }
0xc8: {  	[bflag:$0x0] =	sbarrier.arrive $0xFFFF  }
0xc9: {  	_ =	strace $0x90000047  }
0xca: {  	s0 =	stileid.u32;
	[bflag:$0x2] =	sbarrier.arrive $0xFFFF  }
0xcb: {  	p0 =	sne.s32 s0, $0x0;
	s0 =	rddreg [dreg:$0x3]  }
0xcc: {  	s0 =	sadd.s32 @!p0 $0x100000, s0  }
0xcd: {  	[sflag:s0] =	ssyncadd.tile.s32 @!p0 $0x1;
	_ =	shalt  }
.Lfunc_end2:
_tile_overlayer_lowered:
.L_overlay_start_2:
0xce: {  	(tag) =	ssettag $0x2  }
0xcf: {  	s0 =	rddreg [dreg:$0x0];
	s2 =	stileid.u32  }
0xd0: {  	s1 =	rddreg [dreg:$0x1];
	p0 =	sne.s32 s2, $0x0  }
0xd1: {  	s3 =	rddreg [dreg:$0x2];
	[bflag:$0x3] =	sbarrier.arrive $0xFFFF;
	s2 =	simm.s32 @!p0 $0x1C02  }
0xd2: {  	[timem:s3], [sflag:s2] =	dma.local @!p0 [hbm:s0], s1  }
0xd3: {  	s0 =	simm.s32 @!p0 $0x2  }
0xd4: {  	_ =	swait.ge @!p0 [sflag:s0], s1  }
0xd5: {  	s1 =	ssub.s32 @!p0 $0x0, s1;
	[sflag:s0] =	ssyncset.done @!p0 $0x0  }
0xd6: {  	[sflag:s0] =	ssyncadd.s32 @!p0 s1  }
0xd7: {  	[bflag:$0x3] =	sbarrier.arrive $0xFFFF  }
0xd8: {  	_ =	shalt  }

</sc_bundles>
